<compile_context>
chip_gen: v7x
topology: tpu7x:2x2x1
jax: 0.10.2.dev20260603
libtpu: 0.0.44.dev20260713+nightly
codegen_flags: <defaults>
</compile_context>

<pallas_src>
import functools

import jax
import jax.numpy as jnp
from jax import lax
from jax.experimental import pallas as pl
from jax.experimental.pallas import tpu as pltpu
from jax.experimental.pallas import tpu_sc as plsc

BATCH = 16384
NUM_FIELDS = 26
VOCAB = 1000000
LANES = 16
NUM_CORES = 2
NUM_SUBCORES = 16
NUM_WORKERS = NUM_CORES * NUM_SUBCORES
BPW = BATCH // NUM_WORKERS
VPF = BPW // LANES
FLAT = NUM_FIELDS * BPW

CH = 31232
TAIL_START = CH * NUM_WORKERS
TAIL = VOCAB - TAIL_START


def _depad_body(w2_hbm, wlin_hbm, buf_v, tail_v, sem_i, sem_o):
    wid = lax.axis_index("s") * NUM_CORES + lax.axis_index("c")
    start = wid * CH

    pltpu.async_copy(w2_hbm.at[0, pl.ds(start, CH)],
                     buf_v.at[pl.ds(0, CH)], sem_i)

    def _body(f, _):
        pltpu.make_async_copy(
            w2_hbm.at[0, pl.ds(0, CH)], buf_v.at[pl.ds(0, CH)],
            sem_i).wait()

        @pl.when(f >= 1)
        def _():
            pltpu.make_async_copy(
                buf_v.at[pl.ds(0, CH)], wlin_hbm.at[pl.ds(0, CH)],
                sem_o).wait()

        @pl.when(f + 1 < NUM_FIELDS)
        def _():
            pltpu.async_copy(
                w2_hbm.at[f + 1, pl.ds(start, CH)],
                buf_v.at[pl.ds(((f + 1) % 2) * CH, CH)], sem_i)

        pltpu.async_copy(
            buf_v.at[pl.ds((f % 2) * CH, CH)],
            wlin_hbm.at[pl.ds(f * VOCAB + start, CH)], sem_o)
        return 0

    lax.fori_loop(0, NUM_FIELDS, _body, 0)
    pltpu.make_async_copy(
        buf_v.at[pl.ds(0, CH)], wlin_hbm.at[pl.ds(0, CH)], sem_o).wait()

    @pl.when(wid < NUM_FIELDS)
    def _():
        pltpu.sync_copy(w2_hbm.at[wid, pl.ds(TAIL_START, TAIL)], tail_v)
        pltpu.sync_copy(
            tail_v, wlin_hbm.at[pl.ds(wid * VOCAB + TAIL_START, TAIL)])


def _lr_body(idx_hbm, w_hbm, b_hbm, out_hbm, idx2_v, rows_v, acc_v,
             bias_v, sem):
    wid = lax.axis_index("s") * NUM_CORES + lax.axis_index("c")
    base = wid * BPW

    pltpu.sync_copy(b_hbm, bias_v)
    pltpu.sync_copy(idx_hbm.at[:, pl.ds(base, BPW)], idx2_v)

    def _fire(c, _):
        f = c // VPF
        j = c % VPF
        iv = idx2_v[f, pl.ds(j * LANES, LANES)] + f * VOCAB
        pltpu.async_copy(w_hbm.at[iv], rows_v.at[c], sem)
        return 0

    lax.fori_loop(0, NUM_FIELDS * VPF, _fire, 0)

    def _drain(c, _):
        iv = idx2_v[0, pl.ds(0, LANES)]
        pltpu.make_async_copy(w_hbm.at[iv], rows_v.at[0], sem).wait()
        return 0

    lax.fori_loop(0, NUM_FIELDS * VPF, _drain, 0)

    bvec = bias_v[...]

    def _reduce(v, _):
        s = bvec
        for f in range(NUM_FIELDS):
            s = s + rows_v[f * VPF + v, :]
        acc_v[pl.ds(v * LANES, LANES)] = s
        return 0

    lax.fori_loop(0, VPF, _reduce, 0)

    pltpu.sync_copy(acc_v, out_hbm.at[pl.ds(base, BPW)])


@jax.jit
def _lr_call(idx_t, w2, bias16):
    mesh = plsc.VectorSubcoreMesh(
        core_axis_name="c", subcore_axis_name="s",
        num_cores=NUM_CORES, num_subcores=NUM_SUBCORES,
    )
    w_lin = pl.kernel(
        _depad_body,
        out_type=jax.ShapeDtypeStruct((NUM_FIELDS * VOCAB,), jnp.float32),
        mesh=mesh,
        scratch_types=[
            pltpu.VMEM((2 * CH,), jnp.float32),
            pltpu.VMEM((TAIL,), jnp.float32),
            pltpu.SemaphoreType.DMA,
            pltpu.SemaphoreType.DMA,
        ],
    )(w2)
    mesh2 = plsc.VectorSubcoreMesh(
        core_axis_name="c", subcore_axis_name="s",
        num_cores=NUM_CORES, num_subcores=NUM_SUBCORES,
    )
    return pl.kernel(
        _lr_body,
        out_type=jax.ShapeDtypeStruct((BATCH,), jnp.float32),
        mesh=mesh2,
        scratch_types=[
            pltpu.VMEM((NUM_FIELDS, BPW), jnp.int32),
            pltpu.VMEM((NUM_FIELDS * VPF, LANES), jnp.float32),
            pltpu.VMEM((BPW,), jnp.float32),
            pltpu.VMEM((LANES,), jnp.float32),
            pltpu.SemaphoreType.DMA,
        ],
    )(idx_t, w_lin, bias16)


def kernel(indices, W, bias):
    idx_t = indices.astype(jnp.int32).T
    w2 = W.reshape(NUM_FIELDS, VOCAB)
    bias16 = jnp.broadcast_to(bias.astype(jnp.float32), (LANES,))
    out = _lr_call(idx_t, w2, bias16)
    return out.reshape(BATCH, 1)

# --- scband reference (transcript-rebuilt; emitter-appended) ---
"""Pipeline reference for scband-lrlayer-32435593019722 (READ-ONLY COPY).

The authoritative reference and input builder live on the scoring server;
editing this copy changes nothing except your own understanding.
"""

import jax, jax.numpy as jnp
import numpy as np

BATCH = 16384
NUM_FIELDS = 26
VOCAB = 1000000
UNITS = 1


def setup_inputs(seed: int = 0) -> dict:
    key = jax.random.key(seed)
    k1, k2 = jax.random.split(key, 2)
    # One categorical id per field per example (single-valent sparse ids;
    # safe_embedding_lookup_sparse with combiner='sum' over one id == plain gather).
    indices = jax.random.randint(k1, (BATCH, NUM_FIELDS), 0, VOCAB, dtype=jnp.int64)
    # Per-column LR weight tables: one (VOCAB, UNITS) table per categorical column.
    W = jax.random.normal(k2, (NUM_FIELDS, VOCAB, UNITS), dtype=jnp.float32) * 0.01
    bias = jnp.zeros((UNITS,), dtype=jnp.float32)
    return {"indices": indices, "W": W, "bias": bias}


def reference(indices, W, bias):
    # For each column: embedding lookup of its ids into its own weight table,
    # combiner='sum' over the (single) id per example.
    # gathered: [NUM_FIELDS, BATCH, UNITS]
    gathered = jax.vmap(lambda w, idx: jnp.take(w, idx, axis=0), in_axes=(0, 1))(W, indices)
    # tf.math.accumulate_n over per-column outputs
    predictions_no_bias = jnp.sum(gathered, axis=0)
    # tf.nn.bias_add
    predictions = predictions_no_bias + bias
    return predictions

if __name__ == "__main__":
    import jax
    _d = setup_inputs()
    print(jax.jit(kernel)(*tuple(_d.values())))

</pallas_src>

<mosaic_0001>
#map = affine_map<(d0, d1) -> (0, 0)>
#map1 = affine_map<(d0, d1) -> (0)>
module attributes {stable_mosaic.version = 14 : i64} {
  func.func @_depad_body(%arg0: i32, %arg1: i32, %arg2: memref<26x1000000xf32, #tpu.memory_space<hbm>>, %arg3: memref<26000000xf32, #tpu.memory_space<hbm>>, %arg4: memref<62464xf32, #tpu.memory_space<vmem>>, %arg5: memref<576xf32, #tpu.memory_space<vmem>>, %arg6: memref<!tpu.dma_semaphore, #tpu.memory_space<semaphore_mem>>, %arg7: memref<!tpu.dma_semaphore, #tpu.memory_space<semaphore_mem>>) attributes {dimension_semantics = [#tpu.dimension_semantics<core_parallel>, #tpu.dimension_semantics<subcore_parallel>], iteration_bounds = array<i64: 2, 16>, scalar_prefetch = 0 : i64, scratch_operands = 4 : i64, tpu.core_type = #tpu.core_type<sc_vector_subcore>, window_params = [{transform_indices = #map}, {transform_indices = #map1}]} {
    %mul3A = arith.constant 2 : i32
    %mul3A_0 = arith.muli %arg1, %mul3A : i32
    %add3A = arith.addi %mul3A_0, %arg0 : i32
    %mul3A_1 = arith.constant 31232 : i32
    %mul3A_2 = arith.muli %add3A, %mul3A_1 : i32
    %dma_start3A = arith.constant 0 : i32
    %dma_start3A_3 = arith.constant 0 : i32
    %dma_start3A_4 = tpu.memref_slice %arg4[%dma_start3A_3] : memref<62464xf32, #tpu.memory_space<vmem>> -> memref<31232xf32, #tpu.memory_space<vmem>>
    %dma_start3A_5 = tpu.memref_slice %arg2[%dma_start3A, %mul3A_2] : memref<26x1000000xf32, #tpu.memory_space<hbm>> -> memref<1x31232xf32, #tpu.memory_space<hbm>>
    %dma_start3A_6 = tpu.memref_squeeze %dma_start3A_5 : memref<1x31232xf32, #tpu.memory_space<hbm>> -> memref<31232xf32, #tpu.memory_space<hbm>>
    %dma_start3A_7 = arith.constant 0 : i32
    %dma_start3A_8 = tpu.memref_slice %arg4[%dma_start3A_7] : memref<62464xf32, #tpu.memory_space<vmem>> -> memref<31232xf32, #tpu.memory_space<vmem>>
    %dma_start3A_9 = tpu.memref_slice %arg2[%dma_start3A, %mul3A_2] : memref<26x1000000xf32, #tpu.memory_space<hbm>> -> memref<1x31232xf32, #tpu.memory_space<hbm>>
    %dma_start3A_10 = tpu.memref_squeeze %dma_start3A_9 : memref<1x31232xf32, #tpu.memory_space<hbm>> -> memref<31232xf32, #tpu.memory_space<hbm>>
    tpu.enqueue_dma source(%dma_start3A_10 : memref<31232xf32, #tpu.memory_space<hbm>>) target(%dma_start3A_8 : memref<31232xf32, #tpu.memory_space<vmem>>) target_semaphore(%arg6 : memref<!tpu.dma_semaphore, #tpu.memory_space<semaphore_mem>>)
    %scan3A = arith.constant 0 : i32
    %scan3A_11 = arith.constant 0 : i32
    %scan3A_12 = arith.constant 26 : i32
    %scan3A_13 = arith.addi %scan3A_11, %scan3A_12 : i32
    %scan3A_14 = arith.constant 1 : i32
    %scan3A_15 = scf.for %scan3A_26 = %scan3A_11 to %scan3A_13 step %scan3A_14 iter_args(%scan3A_27 = %scan3A) -> (i32)  : i32 {
      %dma_wait3A_28 = arith.constant 0 : i32
      %dma_wait3A_29 = arith.constant 0 : i32
      %dma_wait3A_30 = tpu.memref_slice %arg4[%dma_wait3A_29] : memref<62464xf32, #tpu.memory_space<vmem>> -> memref<31232xf32, #tpu.memory_space<vmem>>
      %dma_wait3A_31 = arith.constant 0 : i32
      %dma_wait3A_32 = tpu.memref_slice %arg2[%dma_wait3A_28, %dma_wait3A_31] : memref<26x1000000xf32, #tpu.memory_space<hbm>> -> memref<1x31232xf32, #tpu.memory_space<hbm>>
      %dma_wait3A_33 = tpu.memref_squeeze %dma_wait3A_32 : memref<1x31232xf32, #tpu.memory_space<hbm>> -> memref<31232xf32, #tpu.memory_space<hbm>>
      %dma_wait3A_34 = arith.constant 0 : i32
      %dma_wait3A_35 = tpu.memref_slice %arg4[%dma_wait3A_34] : memref<62464xf32, #tpu.memory_space<vmem>> -> memref<31232xf32, #tpu.memory_space<vmem>>
      %dma_wait3A_36 = arith.constant 0 : i32
      %dma_wait3A_37 = tpu.memref_slice %arg2[%dma_wait3A_28, %dma_wait3A_36] : memref<26x1000000xf32, #tpu.memory_space<hbm>> -> memref<1x31232xf32, #tpu.memory_space<hbm>>
      %dma_wait3A_38 = tpu.memref_squeeze %dma_wait3A_37 : memref<1x31232xf32, #tpu.memory_space<hbm>> -> memref<31232xf32, #tpu.memory_space<hbm>>
      tpu.wait_dma2 semaphore(%arg6 : memref<!tpu.dma_semaphore, #tpu.memory_space<semaphore_mem>>) src(%dma_wait3A_38 : memref<31232xf32, #tpu.memory_space<hbm>>) dst(%dma_wait3A_35 : memref<31232xf32, #tpu.memory_space<vmem>>)
      %ge3A = arith.constant 1 : i32
      %ge3A_39 = arith.cmpi sge, %scan3A_26, %ge3A : i32
      %convert_element_type3A_40 = arith.extui %ge3A_39 : i1 to i32
      %cond3A_41 = arith.constant 0 : i32
      %cond3A_42 = arith.cmpi ne, %convert_element_type3A_40, %cond3A_41 : i32
      scf.if %cond3A_42 {
        %dma_wait3A_70 = arith.constant 0 : i32
        %dma_wait3A_71 = tpu.memref_slice %arg4[%dma_wait3A_70] : memref<62464xf32, #tpu.memory_space<vmem>> -> memref<31232xf32, #tpu.memory_space<vmem>>
        %dma_wait3A_72 = arith.constant 0 : i32
        %dma_wait3A_73 = tpu.memref_slice %arg3[%dma_wait3A_72] : memref<26000000xf32, #tpu.memory_space<hbm>> -> memref<31232xf32, #tpu.memory_space<hbm>>
        %dma_wait3A_74 = arith.constant 0 : i32
        %dma_wait3A_75 = tpu.memref_slice %arg3[%dma_wait3A_74] : memref<26000000xf32, #tpu.memory_space<hbm>> -> memref<31232xf32, #tpu.memory_space<hbm>>
        %dma_wait3A_76 = arith.constant 0 : i32
        %dma_wait3A_77 = tpu.memref_slice %arg4[%dma_wait3A_76] : memref<62464xf32, #tpu.memory_space<vmem>> -> memref<31232xf32, #tpu.memory_space<vmem>>
        tpu.wait_dma2 semaphore(%arg7 : memref<!tpu.dma_semaphore, #tpu.memory_space<semaphore_mem>>) src(%dma_wait3A_77 : memref<31232xf32, #tpu.memory_space<vmem>>) dst(%dma_wait3A_75 : memref<31232xf32, #tpu.memory_space<hbm>>)
      } else {
      }
      %add3A_43 = arith.constant 1 : i32
      %add3A_44 = arith.addi %scan3A_26, %add3A_43 : i32
      %lt3A_45 = arith.constant 26 : i32
      %lt3A_46 = arith.cmpi slt, %add3A_44, %lt3A_45 : i32
      %convert_element_type3A_47 = arith.extui %lt3A_46 : i1 to i32
      %cond3A_48 = arith.constant 0 : i32
      %cond3A_49 = arith.cmpi ne, %convert_element_type3A_47, %cond3A_48 : i32
      scf.if %cond3A_49 {
        %add3A_70 = arith.constant 1 : i32
        %add3A_71 = arith.addi %scan3A_26, %add3A_70 : i32
        %add3A_72 = arith.constant 1 : i32
        %add3A_73 = arith.addi %scan3A_26, %add3A_72 : i32
        %jit3A_74 = arith.constant 2 : i32
        %eq3A_75 = arith.constant 0 : i32
        %eq3A_76 = arith.cmpi eq, %jit3A_74, %eq3A_75 : i32
        %jit3A_77 = arith.constant 1 : i32
        %select_n3A_78 = arith.select %eq3A_76, %jit3A_77, %jit3A_74 : i32
        %rem3A_79 = arith.remsi %add3A_73, %select_n3A_78 : i32
        %ne3A_80 = arith.constant 0 : i32
        %ne3A_81 = arith.cmpi ne, %rem3A_79, %ne3A_80 : i32
        %lt3A_82 = arith.constant 0 : i32
        %lt3A_83 = arith.cmpi slt, %rem3A_79, %lt3A_82 : i32
        %lt3A_84 = arith.constant 0 : i32
        %lt3A_85 = arith.cmpi slt, %select_n3A_78, %lt3A_84 : i32
        %ne3A_86 = arith.xori %lt3A_83, %lt3A_85 : i1
        %and3A_87 = arith.andi %ne3A_86, %ne3A_81 : i1
        %add3A_88 = arith.addi %rem3A_79, %select_n3A_78 : i32
        %select_n3A_89 = arith.select %and3A_87, %add3A_88, %rem3A_79 : i32
        %mul3A_90 = arith.constant 31232 : i32
        %mul3A_91 = arith.muli %select_n3A_89, %mul3A_90 : i32
        %dma_start3A_92 = tpu.memref_slice %arg4[%mul3A_91] : memref<62464xf32, #tpu.memory_space<vmem>> -> memref<31232xf32, #tpu.memory_space<vmem>>
        %dma_start3A_93 = tpu.memref_slice %arg2[%add3A_71, %mul3A_2] : memref<26x1000000xf32, #tpu.memory_space<hbm>> -> memref<1x31232xf32, #tpu.memory_space<hbm>>
        %dma_start3A_94 = tpu.memref_squeeze %dma_start3A_93 : memref<1x31232xf32, #tpu.memory_space<hbm>> -> memref<31232xf32, #tpu.memory_space<hbm>>
        %dma_start3A_95 = tpu.memref_slice %arg4[%mul3A_91] : memref<62464xf32, #tpu.memory_space<vmem>> -> memref<31232xf32, #tpu.memory_space<vmem>>
        %dma_start3A_96 = tpu.memref_slice %arg2[%add3A_71, %mul3A_2] : memref<26x1000000xf32, #tpu.memory_space<hbm>> -> memref<1x31232xf32, #tpu.memory_space<hbm>>
        %dma_start3A_97 = tpu.memref_squeeze %dma_start3A_96 : memref<1x31232xf32, #tpu.memory_space<hbm>> -> memref<31232xf32, #tpu.memory_space<hbm>>
        tpu.enqueue_dma source(%dma_start3A_97 : memref<31232xf32, #tpu.memory_space<hbm>>) target(%dma_start3A_95 : memref<31232xf32, #tpu.memory_space<vmem>>) target_semaphore(%arg6 : memref<!tpu.dma_semaphore, #tpu.memory_space<semaphore_mem>>)
      } else {
      }
      %jit3A = arith.constant 2 : i32
      %eq3A = arith.constant 0 : i32
      %eq3A_50 = arith.cmpi eq, %jit3A, %eq3A : i32
      %jit3A_51 = arith.constant 1 : i32
      %select_n3A = arith.select %eq3A_50, %jit3A_51, %jit3A : i32
      %rem3A = arith.remsi %scan3A_26, %select_n3A : i32
      %ne3A = arith.constant 0 : i32
      %ne3A_52 = arith.cmpi ne, %rem3A, %ne3A : i32
      %lt3A_53 = arith.constant 0 : i32
      %lt3A_54 = arith.cmpi slt, %rem3A, %lt3A_53 : i32
      %lt3A_55 = arith.constant 0 : i32
      %lt3A_56 = arith.cmpi slt, %select_n3A, %lt3A_55 : i32
      %ne3A_57 = arith.xori %lt3A_54, %lt3A_56 : i1
      %and3A = arith.andi %ne3A_57, %ne3A_52 : i1
      %add3A_58 = arith.addi %rem3A, %select_n3A : i32
      %select_n3A_59 = arith.select %and3A, %add3A_58, %rem3A : i32
      %mul3A_60 = arith.constant 31232 : i32
      %mul3A_61 = arith.muli %select_n3A_59, %mul3A_60 : i32
      %mul3A_62 = arith.constant 1000000 : i32
      %mul3A_63 = arith.muli %scan3A_26, %mul3A_62 : i32
      %add3A_64 = arith.addi %mul3A_63, %mul3A_2 : i32
      %dma_start3A_65 = tpu.memref_slice %arg4[%mul3A_61] : memref<62464xf32, #tpu.memory_space<vmem>> -> memref<31232xf32, #tpu.memory_space<vmem>>
      %dma_start3A_66 = tpu.memref_slice %arg3[%add3A_64] : memref<26000000xf32, #tpu.memory_space<hbm>> -> memref<31232xf32, #tpu.memory_space<hbm>>
      %dma_start3A_67 = tpu.memref_slice %arg3[%add3A_64] : memref<26000000xf32, #tpu.memory_space<hbm>> -> memref<31232xf32, #tpu.memory_space<hbm>>
      %dma_start3A_68 = tpu.memref_slice %arg4[%mul3A_61] : memref<62464xf32, #tpu.memory_space<vmem>> -> memref<31232xf32, #tpu.memory_space<vmem>>
      tpu.enqueue_dma source(%dma_start3A_68 : memref<31232xf32, #tpu.memory_space<vmem>>) target(%dma_start3A_67 : memref<31232xf32, #tpu.memory_space<hbm>>) target_semaphore(%arg7 : memref<!tpu.dma_semaphore, #tpu.memory_space<semaphore_mem>>)
      %scan3A_69 = arith.constant 0 : i32
      scf.yield %scan3A_69 : i32
    }
    %scan3A_16 = arith.constant 26 : i32
    %dma_wait3A = arith.constant 0 : i32
    %dma_wait3A_17 = tpu.memref_slice %arg4[%dma_wait3A] : memref<62464xf32, #tpu.memory_space<vmem>> -> memref<31232xf32, #tpu.memory_space<vmem>>
    %dma_wait3A_18 = arith.constant 0 : i32
    %dma_wait3A_19 = tpu.memref_slice %arg3[%dma_wait3A_18] : memref<26000000xf32, #tpu.memory_space<hbm>> -> memref<31232xf32, #tpu.memory_space<hbm>>
    %dma_wait3A_20 = arith.constant 0 : i32
    %dma_wait3A_21 = tpu.memref_slice %arg3[%dma_wait3A_20] : memref<26000000xf32, #tpu.memory_space<hbm>> -> memref<31232xf32, #tpu.memory_space<hbm>>
    %dma_wait3A_22 = arith.constant 0 : i32
    %dma_wait3A_23 = tpu.memref_slice %arg4[%dma_wait3A_22] : memref<62464xf32, #tpu.memory_space<vmem>> -> memref<31232xf32, #tpu.memory_space<vmem>>
    tpu.wait_dma2 semaphore(%arg7 : memref<!tpu.dma_semaphore, #tpu.memory_space<semaphore_mem>>) src(%dma_wait3A_23 : memref<31232xf32, #tpu.memory_space<vmem>>) dst(%dma_wait3A_21 : memref<31232xf32, #tpu.memory_space<hbm>>)
    %lt3A = arith.constant 26 : i32
    %lt3A_24 = arith.cmpi slt, %add3A, %lt3A : i32
    %convert_element_type3A = arith.extui %lt3A_24 : i1 to i32
    %cond3A = arith.constant 0 : i32
    %cond3A_25 = arith.cmpi ne, %convert_element_type3A, %cond3A : i32
    scf.if %cond3A_25 {
      "tpu.region"() ({
        %run_scoped3A = tpu.sem_alloc : memref<!tpu.dma_semaphore, #tpu.memory_space<semaphore_mem>>
        %dma_start3A_30 = arith.constant 999424 : i32
        %dma_start3A_31 = tpu.memref_slice %arg2[%add3A, %dma_start3A_30] : memref<26x1000000xf32, #tpu.memory_space<hbm>> -> memref<1x576xf32, #tpu.memory_space<hbm>>
        %dma_start3A_32 = tpu.memref_squeeze %dma_start3A_31 : memref<1x576xf32, #tpu.memory_space<hbm>> -> memref<576xf32, #tpu.memory_space<hbm>>
        %dma_start3A_33 = arith.constant 999424 : i32
        %dma_start3A_34 = tpu.memref_slice %arg2[%add3A, %dma_start3A_33] : memref<26x1000000xf32, #tpu.memory_space<hbm>> -> memref<1x576xf32, #tpu.memory_space<hbm>>
        %dma_start3A_35 = tpu.memref_squeeze %dma_start3A_34 : memref<1x576xf32, #tpu.memory_space<hbm>> -> memref<576xf32, #tpu.memory_space<hbm>>
        tpu.enqueue_dma source(%dma_start3A_35 : memref<576xf32, #tpu.memory_space<hbm>>) target(%arg5 : memref<576xf32, #tpu.memory_space<vmem>>) target_semaphore(%run_scoped3A : memref<!tpu.dma_semaphore, #tpu.memory_space<semaphore_mem>>)
        %dma_wait3A_36 = arith.constant 999424 : i32
        %dma_wait3A_37 = tpu.memref_slice %arg2[%add3A, %dma_wait3A_36] : memref<26x1000000xf32, #tpu.memory_space<hbm>> -> memref<1x576xf32, #tpu.memory_space<hbm>>
        %dma_wait3A_38 = tpu.memref_squeeze %dma_wait3A_37 : memref<1x576xf32, #tpu.memory_space<hbm>> -> memref<576xf32, #tpu.memory_space<hbm>>
        %dma_wait3A_39 = arith.constant 999424 : i32
        %dma_wait3A_40 = tpu.memref_slice %arg2[%add3A, %dma_wait3A_39] : memref<26x1000000xf32, #tpu.memory_space<hbm>> -> memref<1x576xf32, #tpu.memory_space<hbm>>
        %dma_wait3A_41 = tpu.memref_squeeze %dma_wait3A_40 : memref<1x576xf32, #tpu.memory_space<hbm>> -> memref<576xf32, #tpu.memory_space<hbm>>
        tpu.wait_dma2 semaphore(%run_scoped3A : memref<!tpu.dma_semaphore, #tpu.memory_space<semaphore_mem>>) src(%dma_wait3A_41 : memref<576xf32, #tpu.memory_space<hbm>>) dst(%arg5 : memref<576xf32, #tpu.memory_space<vmem>>)
        tpu.yield
      }) : () -> ()
      %mul3A_26 = arith.constant 1000000 : i32
      %mul3A_27 = arith.muli %add3A, %mul3A_26 : i32
      %add3A_28 = arith.constant 999424 : i32
      %add3A_29 = arith.addi %mul3A_27, %add3A_28 : i32
      "tpu.region"() ({
        %run_scoped3A = tpu.sem_alloc : memref<!tpu.dma_semaphore, #tpu.memory_space<semaphore_mem>>
        %dma_start3A_30 = tpu.memref_slice %arg3[%add3A_29] : memref<26000000xf32, #tpu.memory_space<hbm>> -> memref<576xf32, #tpu.memory_space<hbm>>
        %dma_start3A_31 = tpu.memref_slice %arg3[%add3A_29] : memref<26000000xf32, #tpu.memory_space<hbm>> -> memref<576xf32, #tpu.memory_space<hbm>>
        tpu.enqueue_dma source(%arg5 : memref<576xf32, #tpu.memory_space<vmem>>) target(%dma_start3A_31 : memref<576xf32, #tpu.memory_space<hbm>>) target_semaphore(%run_scoped3A : memref<!tpu.dma_semaphore, #tpu.memory_space<semaphore_mem>>)
        %dma_wait3A_32 = tpu.memref_slice %arg3[%add3A_29] : memref<26000000xf32, #tpu.memory_space<hbm>> -> memref<576xf32, #tpu.memory_space<hbm>>
        %dma_wait3A_33 = tpu.memref_slice %arg3[%add3A_29] : memref<26000000xf32, #tpu.memory_space<hbm>> -> memref<576xf32, #tpu.memory_space<hbm>>
        tpu.wait_dma2 semaphore(%run_scoped3A : memref<!tpu.dma_semaphore, #tpu.memory_space<semaphore_mem>>) src(%arg5 : memref<576xf32, #tpu.memory_space<vmem>>) dst(%dma_wait3A_33 : memref<576xf32, #tpu.memory_space<hbm>>)
        tpu.yield
      }) : () -> ()
    } else {
    }
    return
  }
}

#map = affine_map<(d0, d1) -> (0, 0)>
#map1 = affine_map<(d0, d1) -> (0)>
module attributes {stable_mosaic.version = 14 : i64} {
  func.func @_lr_body(%arg0: i32, %arg1: i32, %arg2: memref<26x16384xi32, #tpu.memory_space<hbm>>, %arg3: memref<26000000xf32, #tpu.memory_space<hbm>>, %arg4: memref<16xf32, #tpu.memory_space<hbm>>, %arg5: memref<16384xf32, #tpu.memory_space<hbm>>, %arg6: memref<26x512xi32, #tpu.memory_space<vmem>>, %arg7: memref<832x16xf32, #tpu.memory_space<vmem>>, %arg8: memref<512xf32, #tpu.memory_space<vmem>>, %arg9: memref<16xf32, #tpu.memory_space<vmem>>, %arg10: memref<!tpu.dma_semaphore, #tpu.memory_space<semaphore_mem>>) attributes {dimension_semantics = [#tpu.dimension_semantics<core_parallel>, #tpu.dimension_semantics<subcore_parallel>], iteration_bounds = array<i64: 2, 16>, scalar_prefetch = 0 : i64, scratch_operands = 5 : i64, tpu.core_type = #tpu.core_type<sc_vector_subcore>, window_params = [{transform_indices = #map}, {transform_indices = #map1}, {transform_indices = #map1}, {transform_indices = #map1}]} {
    %mul3A = arith.constant 2 : i32
    %mul3A_0 = arith.muli %arg1, %mul3A : i32
    %add3A = arith.addi %mul3A_0, %arg0 : i32
    %mul3A_1 = arith.constant 512 : i32
    %mul3A_2 = arith.muli %add3A, %mul3A_1 : i32
    "tpu.region"() ({
      %run_scoped3A = tpu.sem_alloc : memref<!tpu.dma_semaphore, #tpu.memory_space<semaphore_mem>>
      tpu.enqueue_dma source(%arg4 : memref<16xf32, #tpu.memory_space<hbm>>) target(%arg9 : memref<16xf32, #tpu.memory_space<vmem>>) target_semaphore(%run_scoped3A : memref<!tpu.dma_semaphore, #tpu.memory_space<semaphore_mem>>)
      tpu.wait_dma2 semaphore(%run_scoped3A : memref<!tpu.dma_semaphore, #tpu.memory_space<semaphore_mem>>) src(%arg4 : memref<16xf32, #tpu.memory_space<hbm>>) dst(%arg9 : memref<16xf32, #tpu.memory_space<vmem>>)
      tpu.yield
    }) : () -> ()
    "tpu.region"() ({
      %run_scoped3A = tpu.sem_alloc : memref<!tpu.dma_semaphore, #tpu.memory_space<semaphore_mem>>
      %dma_start3A = arith.constant 0 : i32
      %dma_start3A_25 = tpu.memref_slice %arg2[%dma_start3A, %mul3A_2] : memref<26x16384xi32, #tpu.memory_space<hbm>> -> memref<26x512xi32, #tpu.memory_space<hbm>>
      %dma_start3A_26 = arith.constant 0 : i32
      %dma_start3A_27 = tpu.memref_slice %arg2[%dma_start3A_26, %mul3A_2] : memref<26x16384xi32, #tpu.memory_space<hbm>> -> memref<26x512xi32, #tpu.memory_space<hbm>>
      tpu.enqueue_dma source(%dma_start3A_27 : memref<26x512xi32, #tpu.memory_space<hbm>>) target(%arg6 : memref<26x512xi32, #tpu.memory_space<vmem>>) target_semaphore(%run_scoped3A : memref<!tpu.dma_semaphore, #tpu.memory_space<semaphore_mem>>)
      %dma_wait3A = arith.constant 0 : i32
      %dma_wait3A_28 = tpu.memref_slice %arg2[%dma_wait3A, %mul3A_2] : memref<26x16384xi32, #tpu.memory_space<hbm>> -> memref<26x512xi32, #tpu.memory_space<hbm>>
      %dma_wait3A_29 = arith.constant 0 : i32
      %dma_wait3A_30 = tpu.memref_slice %arg2[%dma_wait3A_29, %mul3A_2] : memref<26x16384xi32, #tpu.memory_space<hbm>> -> memref<26x512xi32, #tpu.memory_space<hbm>>
      tpu.wait_dma2 semaphore(%run_scoped3A : memref<!tpu.dma_semaphore, #tpu.memory_space<semaphore_mem>>) src(%dma_wait3A_30 : memref<26x512xi32, #tpu.memory_space<hbm>>) dst(%arg6 : memref<26x512xi32, #tpu.memory_space<vmem>>)
      tpu.yield
    }) : () -> ()
    %scan3A = arith.constant 0 : i32
    %scan3A_3 = arith.constant 0 : i32
    %scan3A_4 = arith.constant 832 : i32
    %scan3A_5 = arith.addi %scan3A_3, %scan3A_4 : i32
    %scan3A_6 = arith.constant 1 : i32
    %scan3A_7 = scf.for %scan3A_25 = %scan3A_3 to %scan3A_5 step %scan3A_6 iter_args(%scan3A_26 = %scan3A) -> (i32)  : i32 {
      %jit3A = arith.constant 32 : i32
      %div3A = arith.divsi %scan3A_25, %jit3A : i32
      %sign3A = arith.constant 0 : i32
      %sign3A_27 = arith.cmpi sgt, %scan3A_25, %sign3A : i32
      %sign3A_28 = arith.extui %sign3A_27 : i1 to i32
      %sign3A_29 = arith.constant 0 : i32
      %sign3A_30 = arith.cmpi slt, %scan3A_25, %sign3A_29 : i32
      %sign3A_31 = arith.extui %sign3A_30 : i1 to i32
      %sign3A_32 = arith.subi %sign3A_28, %sign3A_31 : i32
      %sign3A_33 = arith.constant 0 : i32
      %sign3A_34 = arith.cmpi sgt, %jit3A, %sign3A_33 : i32
      %sign3A_35 = arith.extui %sign3A_34 : i1 to i32
      %sign3A_36 = arith.constant 0 : i32
      %sign3A_37 = arith.cmpi slt, %jit3A, %sign3A_36 : i32
      %sign3A_38 = arith.extui %sign3A_37 : i1 to i32
      %sign3A_39 = arith.subi %sign3A_35, %sign3A_38 : i32
      %ne3A = arith.cmpi ne, %sign3A_32, %sign3A_39 : i32
      %rem3A = arith.remsi %scan3A_25, %jit3A : i32
      %ne3A_40 = arith.constant 0 : i32
      %ne3A_41 = arith.cmpi ne, %rem3A, %ne3A_40 : i32
      %and3A = arith.andi %ne3A, %ne3A_41 : i1
      %sub3A = arith.constant 1 : i32
      %sub3A_42 = arith.subi %div3A, %sub3A : i32
      %select_n3A = arith.select %and3A, %sub3A_42, %div3A : i32
      %jit3A_43 = arith.constant 32 : i32
      %eq3A = arith.constant 0 : i32
      %eq3A_44 = arith.cmpi eq, %jit3A_43, %eq3A : i32
      %jit3A_45 = arith.constant 1 : i32
      %select_n3A_46 = arith.select %eq3A_44, %jit3A_45, %jit3A_43 : i32
      %rem3A_47 = arith.remsi %scan3A_25, %select_n3A_46 : i32
      %ne3A_48 = arith.constant 0 : i32
      %ne3A_49 = arith.cmpi ne, %rem3A_47, %ne3A_48 : i32
      %lt3A = arith.constant 0 : i32
      %lt3A_50 = arith.cmpi slt, %rem3A_47, %lt3A : i32
      %lt3A_51 = arith.constant 0 : i32
      %lt3A_52 = arith.cmpi slt, %select_n3A_46, %lt3A_51 : i32
      %ne3A_53 = arith.xori %lt3A_50, %lt3A_52 : i1
      %and3A_54 = arith.andi %ne3A_53, %ne3A_49 : i1
      %add3A_55 = arith.addi %rem3A_47, %select_n3A_46 : i32
      %select_n3A_56 = arith.select %and3A_54, %add3A_55, %rem3A_47 : i32
      %mul3A_57 = arith.constant 16 : i32
      %mul3A_58 = arith.muli %select_n3A_56, %mul3A_57 : i32
      %get3A_59 = arith.index_cast %select_n3A : i32 to index
      %get3A_60 = arith.index_cast %mul3A_58 : i32 to index
      %get3A_61 = tpu.vector_load %arg6[%get3A_59, %get3A_60] {strides = array<i32>} : memref<26x512xi32, #tpu.memory_space<vmem>>, vector<1x16xi32>,
      %get3A_62 = vector.shape_cast %get3A_61 : vector<1x16xi32> to vector<16xi32>
      %mul3A_63 = arith.constant 1000000 : i32
      %mul3A_64 = arith.muli %select_n3A, %mul3A_63 : i32
      %add3A_65 = vector.broadcast %mul3A_64 : i32 to vector<16xi32>
      %add3A_66 = arith.addi %get3A_62, %add3A_65 : vector<16xi32>
      %dma_start3A = arith.constant 0 : i32
      %dma_start3A_67 = tpu.memref_slice %arg7[%scan3A_25, %dma_start3A] : memref<832x16xf32, #tpu.memory_space<vmem>> -> memref<1x16xf32, #tpu.memory_space<vmem>>
      %dma_start3A_68 = tpu.memref_squeeze %dma_start3A_67 : memref<1x16xf32, #tpu.memory_space<vmem>> -> memref<16xf32, #tpu.memory_space<vmem>>
      %dma_start3A_69 = arith.constant 0 : i32
      %dma_start3A_70 = tpu.memref_slice %arg3[%dma_start3A_69] : memref<26000000xf32, #tpu.memory_space<hbm>> -> memref<26000000xf32, #tpu.memory_space<hbm>>
      tpu.enqueue_indirect_dma source(%dma_start3A_70 : memref<26000000xf32, #tpu.memory_space<hbm>>) target(%dma_start3A_68 : memref<16xf32, #tpu.memory_space<vmem>>) offsets(%add3A_66 : vector<16xi32>) semaphore(%arg10 : memref<!tpu.dma_semaphore, #tpu.memory_space<semaphore_mem>>)
      %scan3A_71 = arith.constant 0 : i32
      scf.yield %scan3A_71 : i32
    }
    %scan3A_8 = arith.constant 832 : i32
    %scan3A_9 = arith.constant 0 : i32
    %scan3A_10 = arith.constant 0 : i32
    %scan3A_11 = arith.constant 832 : i32
    %scan3A_12 = arith.addi %scan3A_10, %scan3A_11 : i32
    %scan3A_13 = arith.constant 1 : i32
    %scan3A_14 = scf.for %scan3A_25 = %scan3A_10 to %scan3A_12 step %scan3A_13 iter_args(%scan3A_26 = %scan3A_9) -> (i32)  : i32 {
      %get3A_27 = arith.constant 0 : i32
      %get3A_28 = arith.index_cast %get3A_27 : i32 to index
      %get3A_29 = arith.constant 0 : index
      %get3A_30 = tpu.vector_load %arg6[%get3A_28, %get3A_29] {strides = array<i32>} : memref<26x512xi32, #tpu.memory_space<vmem>>, vector<1x16xi32>,
      %get3A_31 = vector.shape_cast %get3A_30 : vector<1x16xi32> to vector<16xi32>
      %dma_wait3A = arith.constant 0 : i32
      %dma_wait3A_32 = arith.constant 0 : i32
      %dma_wait3A_33 = tpu.memref_slice %arg7[%dma_wait3A, %dma_wait3A_32] : memref<832x16xf32, #tpu.memory_space<vmem>> -> memref<1x16xf32, #tpu.memory_space<vmem>>
      %dma_wait3A_34 = tpu.memref_squeeze %dma_wait3A_33 : memref<1x16xf32, #tpu.memory_space<vmem>> -> memref<16xf32, #tpu.memory_space<vmem>>
      %dma_wait3A_35 = arith.constant 0 : i32
      %dma_wait3A_36 = tpu.memref_slice %arg3[%dma_wait3A_35] : memref<26000000xf32, #tpu.memory_space<hbm>> -> memref<26000000xf32, #tpu.memory_space<hbm>>
      tpu.wait_indirect_dma semaphore(%arg10 : memref<!tpu.dma_semaphore, #tpu.memory_space<semaphore_mem>>) src(%dma_wait3A_36 : memref<26000000xf32, #tpu.memory_space<hbm>>) dst(%dma_wait3A_34 : memref<16xf32, #tpu.memory_space<vmem>>)
      %scan3A_37 = arith.constant 0 : i32
      scf.yield %scan3A_37 : i32
    }
    %scan3A_15 = arith.constant 832 : i32
    %get3A = arith.constant 0 : index
    %get3A_16 = tpu.vector_load %arg9[%get3A] {strides = array<i32>} : memref<16xf32, #tpu.memory_space<vmem>>, vector<16xf32>,
    %get3A_17 = vector.shape_cast %get3A_16 : vector<16xf32> to vector<16xf32>
    %scan3A_18 = arith.constant 0 : i32
    %scan3A_19 = arith.constant 0 : i32
    %scan3A_20 = arith.constant 32 : i32
    %scan3A_21 = arith.addi %scan3A_19, %scan3A_20 : i32
    %scan3A_22 = arith.constant 1 : i32
    %scan3A_23 = scf.for %scan3A_25 = %scan3A_19 to %scan3A_21 step %scan3A_22 iter_args(%scan3A_26 = %scan3A_18) -> (i32)  : i32 {
      %add3A_27 = arith.constant 0 : i32
      %add3A_28 = arith.addi %add3A_27, %scan3A_25 : i32
      %get3A_29 = arith.index_cast %add3A_28 : i32 to index
      %get3A_30 = arith.constant 0 : index
      %get3A_31 = tpu.vector_load %arg7[%get3A_29, %get3A_30] {strides = array<i32>} : memref<832x16xf32, #tpu.memory_space<vmem>>, vector<1x16xf32>,
      %get3A_32 = vector.shape_cast %get3A_31 : vector<1x16xf32> to vector<16xf32>
      %add3A_33 = arith.addf %get3A_17, %get3A_32 : vector<16xf32>
      %add3A_34 = arith.constant 32 : i32
      %add3A_35 = arith.addi %add3A_34, %scan3A_25 : i32
      %get3A_36 = arith.index_cast %add3A_35 : i32 to index
      %get3A_37 = arith.constant 0 : index
      %get3A_38 = tpu.vector_load %arg7[%get3A_36, %get3A_37] {strides = array<i32>} : memref<832x16xf32, #tpu.memory_space<vmem>>, vector<1x16xf32>,
      %get3A_39 = vector.shape_cast %get3A_38 : vector<1x16xf32> to vector<16xf32>
      %add3A_40 = arith.addf %add3A_33, %get3A_39 : vector<16xf32>
      %add3A_41 = arith.constant 64 : i32
      %add3A_42 = arith.addi %add3A_41, %scan3A_25 : i32
      %get3A_43 = arith.index_cast %add3A_42 : i32 to index
      %get3A_44 = arith.constant 0 : index
      %get3A_45 = tpu.vector_load %arg7[%get3A_43, %get3A_44] {strides = array<i32>} : memref<832x16xf32, #tpu.memory_space<vmem>>, vector<1x16xf32>,
      %get3A_46 = vector.shape_cast %get3A_45 : vector<1x16xf32> to vector<16xf32>
      %add3A_47 = arith.addf %add3A_40, %get3A_46 : vector<16xf32>
      %add3A_48 = arith.constant 96 : i32
      %add3A_49 = arith.addi %add3A_48, %scan3A_25 : i32
      %get3A_50 = arith.index_cast %add3A_49 : i32 to index
      %get3A_51 = arith.constant 0 : index
      %get3A_52 = tpu.vector_load %arg7[%get3A_50, %get3A_51] {strides = array<i32>} : memref<832x16xf32, #tpu.memory_space<vmem>>, vector<1x16xf32>,
      %get3A_53 = vector.shape_cast %get3A_52 : vector<1x16xf32> to vector<16xf32>
      %add3A_54 = arith.addf %add3A_47, %get3A_53 : vector<16xf32>
      %add3A_55 = arith.constant 128 : i32
      %add3A_56 = arith.addi %add3A_55, %scan3A_25 : i32
      %get3A_57 = arith.index_cast %add3A_56 : i32 to index
      %get3A_58 = arith.constant 0 : index
      %get3A_59 = tpu.vector_load %arg7[%get3A_57, %get3A_58] {strides = array<i32>} : memref<832x16xf32, #tpu.memory_space<vmem>>, vector<1x16xf32>,
      %get3A_60 = vector.shape_cast %get3A_59 : vector<1x16xf32> to vector<16xf32>
      %add3A_61 = arith.addf %add3A_54, %get3A_60 : vector<16xf32>
      %add3A_62 = arith.constant 160 : i32
      %add3A_63 = arith.addi %add3A_62, %scan3A_25 : i32
      %get3A_64 = arith.index_cast %add3A_63 : i32 to index
      %get3A_65 = arith.constant 0 : index
      %get3A_66 = tpu.vector_load %arg7[%get3A_64, %get3A_65] {strides = array<i32>} : memref<832x16xf32, #tpu.memory_space<vmem>>, vector<1x16xf32>,
      %get3A_67 = vector.shape_cast %get3A_66 : vector<1x16xf32> to vector<16xf32>
      %add3A_68 = arith.addf %add3A_61, %get3A_67 : vector<16xf32>
      %add3A_69 = arith.constant 192 : i32
      %add3A_70 = arith.addi %add3A_69, %scan3A_25 : i32
      %get3A_71 = arith.index_cast %add3A_70 : i32 to index
      %get3A_72 = arith.constant 0 : index
      %get3A_73 = tpu.vector_load %arg7[%get3A_71, %get3A_72] {strides = array<i32>} : memref<832x16xf32, #tpu.memory_space<vmem>>, vector<1x16xf32>,
      %get3A_74 = vector.shape_cast %get3A_73 : vector<1x16xf32> to vector<16xf32>
      %add3A_75 = arith.addf %add3A_68, %get3A_74 : vector<16xf32>
      %add3A_76 = arith.constant 224 : i32
      %add3A_77 = arith.addi %add3A_76, %scan3A_25 : i32
      %get3A_78 = arith.index_cast %add3A_77 : i32 to index
      %get3A_79 = arith.constant 0 : index
      %get3A_80 = tpu.vector_load %arg7[%get3A_78, %get3A_79] {strides = array<i32>} : memref<832x16xf32, #tpu.memory_space<vmem>>, vector<1x16xf32>,
      %get3A_81 = vector.shape_cast %get3A_80 : vector<1x16xf32> to vector<16xf32>
      %add3A_82 = arith.addf %add3A_75, %get3A_81 : vector<16xf32>
      %add3A_83 = arith.constant 256 : i32
      %add3A_84 = arith.addi %add3A_83, %scan3A_25 : i32
      %get3A_85 = arith.index_cast %add3A_84 : i32 to index
      %get3A_86 = arith.constant 0 : index
      %get3A_87 = tpu.vector_load %arg7[%get3A_85, %get3A_86] {strides = array<i32>} : memref<832x16xf32, #tpu.memory_space<vmem>>, vector<1x16xf32>,
      %get3A_88 = vector.shape_cast %get3A_87 : vector<1x16xf32> to vector<16xf32>
      %add3A_89 = arith.addf %add3A_82, %get3A_88 : vector<16xf32>
      %add3A_90 = arith.constant 288 : i32
      %add3A_91 = arith.addi %add3A_90, %scan3A_25 : i32
      %get3A_92 = arith.index_cast %add3A_91 : i32 to index
      %get3A_93 = arith.constant 0 : index
      %get3A_94 = tpu.vector_load %arg7[%get3A_92, %get3A_93] {strides = array<i32>} : memref<832x16xf32, #tpu.memory_space<vmem>>, vector<1x16xf32>,
      %get3A_95 = vector.shape_cast %get3A_94 : vector<1x16xf32> to vector<16xf32>
      %add3A_96 = arith.addf %add3A_89, %get3A_95 : vector<16xf32>
      %add3A_97 = arith.constant 320 : i32
      %add3A_98 = arith.addi %add3A_97, %scan3A_25 : i32
      %get3A_99 = arith.index_cast %add3A_98 : i32 to index
      %get3A_100 = arith.constant 0 : index
      %get3A_101 = tpu.vector_load %arg7[%get3A_99, %get3A_100] {strides = array<i32>} : memref<832x16xf32, #tpu.memory_space<vmem>>, vector<1x16xf32>,
      %get3A_102 = vector.shape_cast %get3A_101 : vector<1x16xf32> to vector<16xf32>
      %add3A_103 = arith.addf %add3A_96, %get3A_102 : vector<16xf32>
      %add3A_104 = arith.constant 352 : i32
      %add3A_105 = arith.addi %add3A_104, %scan3A_25 : i32
      %get3A_106 = arith.index_cast %add3A_105 : i32 to index
      %get3A_107 = arith.constant 0 : index
      %get3A_108 = tpu.vector_load %arg7[%get3A_106, %get3A_107] {strides = array<i32>} : memref<832x16xf32, #tpu.memory_space<vmem>>, vector<1x16xf32>,
      %get3A_109 = vector.shape_cast %get3A_108 : vector<1x16xf32> to vector<16xf32>
      %add3A_110 = arith.addf %add3A_103, %get3A_109 : vector<16xf32>
      %add3A_111 = arith.constant 384 : i32
      %add3A_112 = arith.addi %add3A_111, %scan3A_25 : i32
      %get3A_113 = arith.index_cast %add3A_112 : i32 to index
      %get3A_114 = arith.constant 0 : index
      %get3A_115 = tpu.vector_load %arg7[%get3A_113, %get3A_114] {strides = array<i32>} : memref<832x16xf32, #tpu.memory_space<vmem>>, vector<1x16xf32>,
      %get3A_116 = vector.shape_cast %get3A_115 : vector<1x16xf32> to vector<16xf32>
      %add3A_117 = arith.addf %add3A_110, %get3A_116 : vector<16xf32>
      %add3A_118 = arith.constant 416 : i32
      %add3A_119 = arith.addi %add3A_118, %scan3A_25 : i32
      %get3A_120 = arith.index_cast %add3A_119 : i32 to index
      %get3A_121 = arith.constant 0 : index
      %get3A_122 = tpu.vector_load %arg7[%get3A_120, %get3A_121] {strides = array<i32>} : memref<832x16xf32, #tpu.memory_space<vmem>>, vector<1x16xf32>,
      %get3A_123 = vector.shape_cast %get3A_122 : vector<1x16xf32> to vector<16xf32>
      %add3A_124 = arith.addf %add3A_117, %get3A_123 : vector<16xf32>
      %add3A_125 = arith.constant 448 : i32
      %add3A_126 = arith.addi %add3A_125, %scan3A_25 : i32
      %get3A_127 = arith.index_cast %add3A_126 : i32 to index
      %get3A_128 = arith.constant 0 : index
      %get3A_129 = tpu.vector_load %arg7[%get3A_127, %get3A_128] {strides = array<i32>} : memref<832x16xf32, #tpu.memory_space<vmem>>, vector<1x16xf32>,
      %get3A_130 = vector.shape_cast %get3A_129 : vector<1x16xf32> to vector<16xf32>
      %add3A_131 = arith.addf %add3A_124, %get3A_130 : vector<16xf32>
      %add3A_132 = arith.constant 480 : i32
      %add3A_133 = arith.addi %add3A_132, %scan3A_25 : i32
      %get3A_134 = arith.index_cast %add3A_133 : i32 to index
      %get3A_135 = arith.constant 0 : index
      %get3A_136 = tpu.vector_load %arg7[%get3A_134, %get3A_135] {strides = array<i32>} : memref<832x16xf32, #tpu.memory_space<vmem>>, vector<1x16xf32>,
      %get3A_137 = vector.shape_cast %get3A_136 : vector<1x16xf32> to vector<16xf32>
      %add3A_138 = arith.addf %add3A_131, %get3A_137 : vector<16xf32>
      %add3A_139 = arith.constant 512 : i32
      %add3A_140 = arith.addi %add3A_139, %scan3A_25 : i32
      %get3A_141 = arith.index_cast %add3A_140 : i32 to index
      %get3A_142 = arith.constant 0 : index
      %get3A_143 = tpu.vector_load %arg7[%get3A_141, %get3A_142] {strides = array<i32>} : memref<832x16xf32, #tpu.memory_space<vmem>>, vector<1x16xf32>,
      %get3A_144 = vector.shape_cast %get3A_143 : vector<1x16xf32> to vector<16xf32>
      %add3A_145 = arith.addf %add3A_138, %get3A_144 : vector<16xf32>
      %add3A_146 = arith.constant 544 : i32
      %add3A_147 = arith.addi %add3A_146, %scan3A_25 : i32
      %get3A_148 = arith.index_cast %add3A_147 : i32 to index
      %get3A_149 = arith.constant 0 : index
      %get3A_150 = tpu.vector_load %arg7[%get3A_148, %get3A_149] {strides = array<i32>} : memref<832x16xf32, #tpu.memory_space<vmem>>, vector<1x16xf32>,
      %get3A_151 = vector.shape_cast %get3A_150 : vector<1x16xf32> to vector<16xf32>
      %add3A_152 = arith.addf %add3A_145, %get3A_151 : vector<16xf32>
      %add3A_153 = arith.constant 576 : i32
      %add3A_154 = arith.addi %add3A_153, %scan3A_25 : i32
      %get3A_155 = arith.index_cast %add3A_154 : i32 to index
      %get3A_156 = arith.constant 0 : index
      %get3A_157 = tpu.vector_load %arg7[%get3A_155, %get3A_156] {strides = array<i32>} : memref<832x16xf32, #tpu.memory_space<vmem>>, vector<1x16xf32>,
      %get3A_158 = vector.shape_cast %get3A_157 : vector<1x16xf32> to vector<16xf32>
      %add3A_159 = arith.addf %add3A_152, %get3A_158 : vector<16xf32>
      %add3A_160 = arith.constant 608 : i32
      %add3A_161 = arith.addi %add3A_160, %scan3A_25 : i32
      %get3A_162 = arith.index_cast %add3A_161 : i32 to index
      %get3A_163 = arith.constant 0 : index
      %get3A_164 = tpu.vector_load %arg7[%get3A_162, %get3A_163] {strides = array<i32>} : memref<832x16xf32, #tpu.memory_space<vmem>>, vector<1x16xf32>,
      %get3A_165 = vector.shape_cast %get3A_164 : vector<1x16xf32> to vector<16xf32>
      %add3A_166 = arith.addf %add3A_159, %get3A_165 : vector<16xf32>
      %add3A_167 = arith.constant 640 : i32
      %add3A_168 = arith.addi %add3A_167, %scan3A_25 : i32
      %get3A_169 = arith.index_cast %add3A_168 : i32 to index
      %get3A_170 = arith.constant 0 : index
      %get3A_171 = tpu.vector_load %arg7[%get3A_169, %get3A_170] {strides = array<i32>} : memref<832x16xf32, #tpu.memory_space<vmem>>, vector<1x16xf32>,
      %get3A_172 = vector.shape_cast %get3A_171 : vector<1x16xf32> to vector<16xf32>
      %add3A_173 = arith.addf %add3A_166, %get3A_172 : vector<16xf32>
      %add3A_174 = arith.constant 672 : i32
      %add3A_175 = arith.addi %add3A_174, %scan3A_25 : i32
      %get3A_176 = arith.index_cast %add3A_175 : i32 to index
      %get3A_177 = arith.constant 0 : index
      %get3A_178 = tpu.vector_load %arg7[%get3A_176, %get3A_177] {strides = array<i32>} : memref<832x16xf32, #tpu.memory_space<vmem>>, vector<1x16xf32>,
      %get3A_179 = vector.shape_cast %get3A_178 : vector<1x16xf32> to vector<16xf32>
      %add3A_180 = arith.addf %add3A_173, %get3A_179 : vector<16xf32>
      %add3A_181 = arith.constant 704 : i32
      %add3A_182 = arith.addi %add3A_181, %scan3A_25 : i32
      %get3A_183 = arith.index_cast %add3A_182 : i32 to index
      %get3A_184 = arith.constant 0 : index
      %get3A_185 = tpu.vector_load %arg7[%get3A_183, %get3A_184] {strides = array<i32>} : memref<832x16xf32, #tpu.memory_space<vmem>>, vector<1x16xf32>,
      %get3A_186 = vector.shape_cast %get3A_185 : vector<1x16xf32> to vector<16xf32>
      %add3A_187 = arith.addf %add3A_180, %get3A_186 : vector<16xf32>
      %add3A_188 = arith.constant 736 : i32
      %add3A_189 = arith.addi %add3A_188, %scan3A_25 : i32
      %get3A_190 = arith.index_cast %add3A_189 : i32 to index
      %get3A_191 = arith.constant 0 : index
      %get3A_192 = tpu.vector_load %arg7[%get3A_190, %get3A_191] {strides = array<i32>} : memref<832x16xf32, #tpu.memory_space<vmem>>, vector<1x16xf32>,
      %get3A_193 = vector.shape_cast %get3A_192 : vector<1x16xf32> to vector<16xf32>
      %add3A_194 = arith.addf %add3A_187, %get3A_193 : vector<16xf32>
      %add3A_195 = arith.constant 768 : i32
      %add3A_196 = arith.addi %add3A_195, %scan3A_25 : i32
      %get3A_197 = arith.index_cast %add3A_196 : i32 to index
      %get3A_198 = arith.constant 0 : index
      %get3A_199 = tpu.vector_load %arg7[%get3A_197, %get3A_198] {strides = array<i32>} : memref<832x16xf32, #tpu.memory_space<vmem>>, vector<1x16xf32>,
      %get3A_200 = vector.shape_cast %get3A_199 : vector<1x16xf32> to vector<16xf32>
      %add3A_201 = arith.addf %add3A_194, %get3A_200 : vector<16xf32>
      %add3A_202 = arith.constant 800 : i32
      %add3A_203 = arith.addi %add3A_202, %scan3A_25 : i32
      %get3A_204 = arith.index_cast %add3A_203 : i32 to index
      %get3A_205 = arith.constant 0 : index
      %get3A_206 = tpu.vector_load %arg7[%get3A_204, %get3A_205] {strides = array<i32>} : memref<832x16xf32, #tpu.memory_space<vmem>>, vector<1x16xf32>,
      %get3A_207 = vector.shape_cast %get3A_206 : vector<1x16xf32> to vector<16xf32>
      %add3A_208 = arith.addf %add3A_201, %get3A_207 : vector<16xf32>
      %mul3A_209 = arith.constant 16 : i32
      %mul3A_210 = arith.muli %scan3A_25, %mul3A_209 : i32
      %swap3A = arith.index_cast %mul3A_210 : i32 to index
      %swap3A_211 = tpu.vector_load %arg8[%swap3A] {strides = array<i32>} : memref<512xf32, #tpu.memory_space<vmem>>, vector<16xf32>,
      %swap3A_212 = vector.shape_cast %swap3A_211 : vector<16xf32> to vector<16xf32>
      %swap3A_213 = vector.shape_cast %add3A_208 : vector<16xf32> to vector<16xf32>
      tpu.vector_store %arg8[%swap3A], %swap3A_213 {strides = array<i32>} : memref<512xf32, #tpu.memory_space<vmem>>, vector<16xf32>,
      %scan3A_214 = arith.constant 0 : i32
      scf.yield %scan3A_214 : i32
    }
    %scan3A_24 = arith.constant 32 : i32
    "tpu.region"() ({
      %run_scoped3A = tpu.sem_alloc : memref<!tpu.dma_semaphore, #tpu.memory_space<semaphore_mem>>
      %dma_start3A = tpu.memref_slice %arg5[%mul3A_2] : memref<16384xf32, #tpu.memory_space<hbm>> -> memref<512xf32, #tpu.memory_space<hbm>>
      %dma_start3A_25 = tpu.memref_slice %arg5[%mul3A_2] : memref<16384xf32, #tpu.memory_space<hbm>> -> memref<512xf32, #tpu.memory_space<hbm>>
      tpu.enqueue_dma source(%arg8 : memref<512xf32, #tpu.memory_space<vmem>>) target(%dma_start3A_25 : memref<512xf32, #tpu.memory_space<hbm>>) target_semaphore(%run_scoped3A : memref<!tpu.dma_semaphore, #tpu.memory_space<semaphore_mem>>)
      %dma_wait3A = tpu.memref_slice %arg5[%mul3A_2] : memref<16384xf32, #tpu.memory_space<hbm>> -> memref<512xf32, #tpu.memory_space<hbm>>
      %dma_wait3A_26 = tpu.memref_slice %arg5[%mul3A_2] : memref<16384xf32, #tpu.memory_space<hbm>> -> memref<512xf32, #tpu.memory_space<hbm>>
      tpu.wait_dma2 semaphore(%run_scoped3A : memref<!tpu.dma_semaphore, #tpu.memory_space<semaphore_mem>>) src(%arg8 : memref<512xf32, #tpu.memory_space<vmem>>) dst(%dma_wait3A_26 : memref<512xf32, #tpu.memory_space<hbm>>)
      tpu.yield
    }) : () -> ()
    return
  }
}

</mosaic_0001>

<sc_bundles>
// kernel: _lr_call.4.cloned.1.call-start
scs
__scs_entry_jumppad:
0x0: {  	(pc) =	sbr.rel $0x88, $3  }
0x1: {  	(tag) =	ssettag $0x0;
	lr =	simm.s32 $0x1  }
0x2: {  	[smem:$0x3F9E] =	sst lr;
	_ =	strace $0xD0000000  }
0x3: {  	_ = 	snop  }
0x4: {  	_ = 	snop  }
0x5: {  	_ = 	snop  }
0x6: {  	_ = 	snop  }
0x7: {  	_ = 	snop  }
__scs_overlays_trampoline_lowered:
0x8: {  	[smem:$0x3FAD] =	sst s0  }
0x9: {  	[smem:$0x3FAE] =	sst s1  }
0xa: {  	[smem:$0x3FAF] =	sst s2  }
0xb: {  	[smem:$0x3FB0] =	sst s3  }
0xc: {  	[smem:$0x3FB1] =	sst s4  }
0xd: {  	[smem:$0x3FB2] =	sst s5  }
0xe: {  	[smem:$0x3FB3] =	sst s6  }
0xf: {  	[smem:$0x3FB4] =	sst s7  }
0x10: {  	[smem:$0x3FB5] =	sst s8  }
0x11: {  	[smem:$0x3FB6] =	sst s9;
	s0 =	simm.s32 @!p0 $0x0  }
0x12: {  	s1 =	sld [smem:$0x3F9C];
	s0 =	simm.s32 @p0 $0x1  }
0x13: {  	[smem:$0x3FB7] =	sst s0;
	s0 =	simm.s32 @!p1 $0x0  }
0x14: {  	s2 =	sld [smem:$0x3F9B];
	s0 =	simm.s32 @p1 $0x1  }
0x15: {  	[smem:$0x3FB8] =	sst s0;
	s0 =	simm.s32 @!p2 $0x0  }
0x16: {  	s3 =	sld [smem:$0x3FDB];
	s0 =	simm.s32 @p2 $0x1  }
0x17: {  	s4 =	simm.s32 $0x1BF5;
	[smem:$0x3FBA] =	sst s0  }
0x18: {  	s0 =	sld [smem:$0x3F9D];
	_ =	swait.ge [sflag:s4], $0x0  }
0x19: {  	s7 =	sld [smem:$0x3F9E]  }
0x1a: {  	s8 =	sadd.s32 $0xFFFFE003, lr  }
0x1b: {  	s9 =	sadd.s32 $0xFFFFFEF7, lr;
	s5 =	simm.s32 $0xFFFFFFFF;
	p2 =	slt.u32 s8, $0xFFFFF086  }
0x1c: {  	p1 =	slt.u32 s9, $0xF7A;
	s5 =	simm.s32 @!p2 $0x0  }
0x1d: {  	s5 =	simm.s32 @p1 $0x1;
	p0 =	seq.s32 s7, s2  }
0x1e: {  	s7 =	smul.u32 @!p0 $0xF7A, s2;
	p2 =	seq.s32 @!p0 s5, $0x0  }
0x1f: {  	s9 =	smul.u32 $0xF7A, s1;
	s8 =	simm.s32 @!p0 $0x1BF5;
	p2 =	por !p2, p0  }
0x20: {  	[sflag:s8] =	ssyncset.s32 @!p0 $0xFFFFF086;
	s6 =	sadd.s32 @!p0 s3, s7;
	s7 =	simm.s32 @!p0 $0x108  }
0x21: {  	s3 =	sadd.s32 s3, s9;
	s6 =	sadd.s32 @!p0 $0x88, s6;
	s7 =	simm.s32 @p2 $0x1082  }
0x22: {  	[simem:s7], [sflag:s8] =	dma.local @!p0 [hbm:s6], $0xF7A  }
0x23: {  	s9 =	sor.u32 $0xD0000000, s2;
	s6 =	simm.s32 $0x108;
	_ =	swait.ge @!p0 [sflag:s8], $0x0  }
0x24: {  	s3 =	sadd.s32 $0x88, s3;
	s6 =	simm.s32 @!p1 $0x1082;
	[sflag:s4] =	ssyncset.s32 $0xFFFFF086  }
0x25: {  	[simem:s6], [sflag:s4] =	dma.local [hbm:s3], $0xF7A  }
0x26: {  	[smem:$0x3F9E] =	sst s1;
	(tag) =	ssettag s2;
	_ =	strace s9  }
0x27: {  	s1 =	sld [smem:$0x3FAE]  }
0x28: {  	s2 =	sld [smem:$0x3FAF]  }
0x29: {  	s4 =	sld [smem:$0x3FB1]  }
0x2a: {  	p0 =	seq.s32 s5, $0x0;
	s5 =	sld [smem:$0x3FB2]  }
0x2b: {  	s6 =	sld [smem:$0x3FB3]  }
0x2c: {  	s7 =	sld [smem:$0x3FB4]  }
0x2d: {  	s3 =	simm.s32 $0x108;
	s8 =	sld [smem:$0x3FB5]  }
0x2e: {  	s3 =	simm.s32 @!p0 $0x1082;
	s9 =	sld [smem:$0x3FB6]  }
0x2f: {  	lr =	sadd.s32 s0, s3;
	s0 =	sld [smem:$0x3FAD]  }
0x30: {  	s3 =	sld [smem:$0x3FB0]  }
0x31: {  	[smem:$0x3FB9] =	sst s10  }
0x32: {  	s10 =	sld [smem:$0x3FB7];
	_ =	sdelay $0x3  }
0x33: {  	p0 =	seq.s32 s10, $0x1;
	s10 =	sld [smem:$0x3FB9];
	_ =	sdelay $0x3  }
0x34: {  	[smem:$0x3FB9] =	sst s10  }
0x35: {  	s10 =	sld [smem:$0x3FB8];
	_ =	sdelay $0x3  }
0x36: {  	p1 =	seq.s32 s10, $0x1;
	s10 =	sld [smem:$0x3FB9];
	_ =	sdelay $0x3  }
0x37: {  	[smem:$0x3FB9] =	sst s10  }
0x38: {  	s10 =	sld [smem:$0x3FBA]  }
0x39: {  	_ = 	snop;
	(pc) =	sbr.ind lr, $3  }
0x3a: {  	_ = 	snop  }
0x3b: {  	_ = 	snop  }
0x3c: {  	p2 =	seq.s32 s10, $0x1;
	s10 =	sld [smem:$0x3FB9]  }
0x3d: {  	_ =	shalt  }
0x3e: {  	_ =	shalt  }
0x3f: {  	_ =	shalt  }
0x40: {  	_ =	shalt  }
0x41: {  	_ =	shalt  }
0x42: {  	_ =	shalt  }
0x43: {  	_ =	shalt  }
0x44: {  	_ =	shalt  }
0x45: {  	_ =	shalt  }
0x46: {  	_ =	shalt  }
0x47: {  	_ =	shalt  }
0x48: {  	_ =	shalt  }
0x49: {  	_ =	shalt  }
0x4a: {  	_ =	shalt  }
0x4b: {  	_ =	shalt  }
0x4c: {  	_ =	shalt  }
0x4d: {  	_ =	shalt  }
0x4e: {  	_ =	shalt  }
0x4f: {  	_ =	shalt  }
0x50: {  	_ =	shalt  }
0x51: {  	_ =	shalt  }
0x52: {  	_ =	shalt  }
0x53: {  	_ =	shalt  }
0x54: {  	_ =	shalt  }
0x55: {  	_ =	shalt  }
0x56: {  	_ =	shalt  }
0x57: {  	_ =	shalt  }
0x58: {  	_ =	shalt  }
0x59: {  	_ =	shalt  }
0x5a: {  	_ =	shalt  }
0x5b: {  	_ =	shalt  }
0x5c: {  	_ =	shalt  }
0x5d: {  	_ =	shalt  }
0x5e: {  	_ =	shalt  }
0x5f: {  	_ =	shalt  }
0x60: {  	_ =	shalt  }
0x61: {  	_ =	shalt  }
0x62: {  	_ =	shalt  }
0x63: {  	_ =	shalt  }
0x64: {  	_ =	shalt  }
0x65: {  	_ =	shalt  }
0x66: {  	_ =	shalt  }
0x67: {  	_ =	shalt  }
0x68: {  	_ =	shalt  }
0x69: {  	_ =	shalt  }
0x6a: {  	_ =	shalt  }
0x6b: {  	_ =	shalt  }
0x6c: {  	_ =	shalt  }
0x6d: {  	_ =	shalt  }
0x6e: {  	_ =	shalt  }
0x6f: {  	_ =	shalt  }
0x70: {  	_ =	shalt  }
0x71: {  	_ =	shalt  }
0x72: {  	_ =	shalt  }
0x73: {  	_ =	shalt  }
0x74: {  	_ =	shalt  }
0x75: {  	_ =	shalt  }
0x76: {  	_ =	shalt  }
0x77: {  	_ =	shalt  }
0x78: {  	_ =	shalt  }
0x79: {  	_ =	shalt  }
0x7a: {  	_ =	shalt  }
0x7b: {  	_ =	shalt  }
0x7c: {  	_ =	shalt  }
0x7d: {  	_ =	shalt  }
0x7e: {  	_ =	shalt  }
0x7f: {  	_ =	shalt  }
0x80: {  	_ =	shalt  }
0x81: {  	_ =	shalt  }
0x82: {  	_ =	shalt  }
0x83: {  	_ =	shalt  }
0x84: {  	_ =	shalt  }
0x85: {  	_ =	shalt  }
0x86: {  	_ =	shalt  }
0x87: {  	_ =	shalt  }
.Lfunc_end0:
.L_simem_size_0:
called_computation_lowered:
.L_overlay_start_0:
0x88: {  	s2 =	sld [smem:$0x3FD9]  }
0x89: {  	s3 =	sld [smem:$0x3FFE];
	_ =	sdelay $0x1  }
0x8a: {  	s1 =	srdreg.scid  }
0x8b: {  	s0 =	sand.u32 $0x1, s1  }
0x8c: {  	s17 =	sshll.u32 s0, $0xA;
	s2 =	sadd.s32 s3, s2  }
0x8d: {  	s2 =	sadd.s32 s2, s17  }
0x8e: {  	[smem:$0x3FC5] =	sst s2  }
0x8f: {  	_ = 	snop  }
0x90: {  	s2 =	sld [smem:$0x3FC8];
	(tm) =	ssettm $0x1  }
0x91: {  	s18 =	sld [smem:$0x3FFB];
	_ =	sdelay $0x3  }
0x92: {  	_ =	strace s18  }
0x93: {  	s3 =	sld [smem:$0x3FFC];
	_ =	sdelay $0x3  }
0x94: {  	_ =	strace s3  }
0x95: {  	s3 =	sld [smem:$0x3FFD];
	_ =	sdelay $0x3  }
0x96: {  	_ =	strace s3  }
0x97: {  	_ =	strace $0x8FFFFFFF  }
0x98: {  	s19 =	sld [smem:$0x3FDB];
	_ =	sdelay $0x1  }
0x99: {  	s4 =	simm.s32 $_scs_section_size  }
0x9a: {  	s5 =	simm.s32 $_size__tile_overlayer_lowered;
	s6 =	simm.s32 $_tile_overlayer_lowered  }
0x9b: {  	s22 =	simm.s32 $0x1BFF;
	s21 =	sshll.u32 s6, $0x1;
	s3 =	sadd.s32 s4, s19  }
0x9c: {  	s7 =	simm.s32 $0x0;
	s20 =	sshll.u32 s5, $0x1;
	s5 =	sadd.s32 s21, s3  }
0x9d: {  	[timem:s7], [sflag:s22] =	dma.local [hbm:s5], s20  }
0x9e: {  	_ =	swait.ge [sflag:s22], s20  }
0x9f: {  	s4 =	ssub.s32 $0x0, s20;
	[sflag:s22] =	ssyncset.done $0x0  }
0xa0: {  	[sflag:s22] =	ssyncadd.s32 s4;
	_ =	sdelay $0x1  }
0xa1: {  	s23 =	simm.s32 $0x1B8B  }
0xa2: {  	_ =	swait.ge [sflag:s23], $0x1  }
0xa3: {  	[sflag:s23] =	ssyncset.done $0x0  }
0xa4: {  	s25 =	simm.s32 $0x1B8E;
	s24 =	sld [smem:$0x3FFE];
	[sflag:s23] =	ssyncadd.s32 $0xFFFFFFFF  }
0xa5: {  	s26 =	simm.s32 $execute0_lowered;
	[smem:$0x3FD2] =	sst s25  }
0xa6: {  	s5 =	sshll.u32 s26, $0x1;
	_ =	strace $0x80000046;
	[dreg:$0x1] =	wrdreg $0xFFFFFFFF  }
0xa7: {  	s28 =	simm.s32 $_size_execute0_lowered;
	s3 =	sadd.s32 s3, s5;
	[dreg:$0x0] =	wrdreg $0x0  }
0xa8: {  	s5 =	sshll.u32 s28, $0x1;
	[dreg:$0x2] =	wrdreg s3  }
0xa9: {  	[dreg:$0x3] =	wrdreg s5  }
0xaa: {  	[dreg:$0x4] =	wrdreg $0xC0  }
0xab: {  	_ =	task [dreg:s7], $0x5FFFF  }
0xac: {  	[dreg:$0x1] =	wrdreg $0xFFFFFFFF  }
0xad: {  	[dreg:$0x0] =	wrdreg $0x60  }
0xae: {  	[dreg:$0x2] =	wrdreg s2  }
0xaf: {  	[dreg:$0x3] =	wrdreg s24  }
0xb0: {  	[dreg:$0x4] =	wrdreg $0x9  }
0xb1: {  	_ =	task.clear_ibuf [dreg:s7], $0x5FFFF;
	_ =	strace $0x90000046  }
0xb2: {  	s29 =	simm.s32 $0x9;
	_ =	strace $0x80000048  }
0xb3: {  	_ =	swait.ge [sflag:s29], $0x1  }
0xb4: {  	[sflag:s29] =	ssyncadd.s32 $0xFFFFFFFF  }
0xb5: {  	_ =	strace $0x90000048  }
0xb6: {  	_ =	sfence  }
0xb7: {  	s30 =	sld [smem:$0x0];
	_ =	sdelay $0x2  }
0xb8: {  	s31 =	sshll.u32 s1, $0xD;
	s1 =	sshrl.u32 s1, $0x2  }
0xb9: {  	s3 =	sand.u32 $0x4000, s31;
	s1 =	sadd.s32 s1, s30  }
0xba: {  	s0 =	sor.u32 s3, s0;
	s1 =	sshll.u32 s1, $0x11  }
0xbb: {  	s0 =	sor.u32 s1, s0  }
0xbc: {  	s0 =	sadd.s32 $0x8F2B, s0  }
0xbd: {  	[sflag:s0] =	ssyncadd.remote.s32 $0x1  }
0xbe: {  	_ =	sfence.sel $0xFFFF  }
0xbf: {  	[dreg:$0x0] =	wrdreg $0xFFFFFFFF;
	(pc) =	sbr.abs _section_cstart, $3  }
0xc0: {  	[dreg:$0x1] =	wrdreg $0xFFFFFFFF  }
0xc1: {  	_ =	task.clear_ibuf [dreg:s7], $0x2FFFF;
	_ =	strace $0x9FFFFFFF  }
0xc2: {  	(tm) =	ssettm $0x7FFFFFFF  }
0xc3: {  	_ =	shalt  }
tec
execute0_lowered:
.L_overlay_start_1:
0x0: {  	(tag) =	ssettag $0x1  }
0x1: {  	s1 =	rddreg [dreg:$0x0]  }
0x2: {  	s4 =	rddreg [dreg:$0x1]  }
0x3: {  	s0 =	rddreg [dreg:$0x2]  }
0x4: {  	s3 =	simm.s32 $0x0;
	s5 =	srdreg.scid;
	s2 =	stileid.u32  }
0x5: {  	s12 =	simm.s32 $0x400;
	s13 =	simm.s32 $0x1;
	s14 =	simm.s32 $0x2  }
0x6: {  	s15 =	simm.s32 $0x0;
	[smem:$0x7FF] =	sst s3;
	s6 =	sand.u32 $0x1, s5  }
0x7: {  	s26 =	sshll.u32 s2, $0x1;
	s4 =	sadd.s32 $0x800, s4;
	s8 =	sshrl.u32 s2, $0x2  }
0x8: {  	p0 =	sgt.u32 s2, $0xC;
	s7 =	sor.u32 s6, s26;
	s8 =	smul.u32 $0x7A1400, s8  }
0x9: {  	_ =	strace $0x80000047;
	s6 =	ssub.s32 $0x2, s6;
	s5 =	smul.u32 $0x3D000, s7  }
0xa: {  	s9 =	sshll.u32 s7, $0x7;
	s10 =	sshrl.u32 s6, $0x1;
	s11 =	smul.u32 $0xF4240, s7  }
.Ltmp0:
0xb: {  	s9 =	sand.u32 $0x380, s9;
	s10 =	ssub.s32 s6, s10;
	(pc) =	sbr.rel .LBB2_1-.Ltmp0, $4  }
0xc: {  	s6 =	smul.u32 $0x7A00, s7;
	s28 =	sor.u32 s9, s8;
	s29 =	sshrl.u32 s5, $0x3  }
0xd: {  	s11 =	sshrl.u32 s11, $0x3;
	s10 =	smax.u32 s10, $0x1;
	s9 =	sadd.s32 $0x7A0000, s28  }
0xe: {  	s7 =	sadd.s32 s1, s29;
	s31 =	sadd.s32 s4, s11;
	s30 =	sshrl.u32 s9, $0x3  }
0xf: {  	s11 =	simm.s32 $0x80;
	s9 =	sadd.s32 $0x1E800, s31;
	s8 =	sadd.s32 s1, s30  }
.LBB2_5:
0x10: {  	_ =	swait.ge [sflag:s14], $0x7A00  }
0x11: {  	s16 =	simm.s32 @!p0 $0x80;
	[sflag:s14] =	ssyncset.done $0x0  }
0x12: {  	s17 =	simm.s32 @!p0 $0x400;
	s18 =	simm.s32 @!p0 $0xF400;
	[sflag:s14] =	ssyncadd.s32 $0xFFFF8600  }
0x13: {  	[tilespmem:s18], [sflag:$0x3] =	stream.strided.gather @!p0 [hbm4b:s8+s16], $0x280, s17, s16, $0x38;
	[tilespmem:$0xF680] =	vst v63  }
0x14: {  	s16 =	simm.s32 @!p0 $0x3  }
0x15: {  	s15 =	sadd.s32 $0x1, s15;
	_ =	swait.ge @!p0 [sflag:s16], $0x280  }
0x16: {  	p1 =	sne.s32 s15, s10;
	[sflag:s16] =	ssyncset.done @!p0 $0x0  }
.Ltmp1:
0x17: {  	s17 =	simm.s32 @!p0 $0x0;
	[sflag:s16] =	ssyncadd.s32 @!p0 $0xFFFFFD80;
	(pc) =	sbr.rel @!p1 .LBB2_6-.Ltmp1, $4  }
0x18: {  	[hbm4b:s9+s17] =	stream.linear.scatter @!p0 [tilespmem:s18], [sflag:$0x3], $0x240, $0x38;
	[tilespmem:$0xF680] =	vst v63  }
0x19: {  	_ =	swait.ge @!p0 [sflag:s16], $0x240  }
0x1a: {  	[sflag:s16] =	ssyncset.done @!p0 $0x0  }
0x1b: {  	[sflag:s16] =	ssyncadd.s32 @!p0 $0xFFFFFDC0  }
.LBB2_1:
.Ltmp2:
0x1c: {  	(pc) =	sbr.rel .LBB2_2-.Ltmp2, $3  }
0x1d: {  	_ =	sdelay $0x1  }
0x1e: {  	[tilespmem:s3], [sflag:$0x1] =	stream.strided.gather [hbm4b:s7+s11], $0x7A00, s12, s11, $0x38;
	[tilespmem:$0xF680] =	vst v63  }
0x1f: {  	s16 =	simm.s32 $0x0  }
.LBB2_4:
0x20: {  	s18 =	smul.u32 $0xF4240, s16;
	_ =	sdelay $0x1  }
0x21: {  	s30 =	sand.u32 $0x1, s16;
	s18 =	sadd.s32 s6, s18  }
0x22: {  	p1 =	seq.s32 s30, $0x1;
	s31 =	sshrl.u32 s18, $0x3;
	s18 =	simm.s32 $0x7A00  }
0x23: {  	s18 =	simm.s32 @!p1 $0x0;
	p1 =	slt.u32 s17, $0x1A  }
.Ltmp3:
0x24: {  	_ = 	snop;
	(pc) =	sbr.rel @!p1 .LBB2_5-.Ltmp3, $4  }
0x25: {  	_ = 	snop  }
0x26: {  	s16 =	sadd.s32 s4, s31  }
0x27: {  	[hbm4b:s16+s3] =	stream.linear.scatter [tilespmem:s18], [sflag:$0x2], $0x7A00, $0x38;
	[tilespmem:$0xF680] =	vst v63  }
0x28: {  	s16 =	smov.u32 s17  }
.LBB2_2:
0x29: {  	p1 =	seq.s32 s16, $0x0  }
0x2a: {  	p2 =	seq.s32 @!p1 s16, $0x19  }
0x2b: {  	_ =	swait.ge [sflag:s13], $0x7A00;
	p2 =	por p1, !p2  }
.Ltmp4:
0x2c: {  	[sflag:s13] =	ssyncset.done $0x0;
	(pc) =	sbr.rel @!p2 .LBB2_4-.Ltmp4, $4  }
0x2d: {  	s17 =	simm.s32 @!p1 $0x2;
	[sflag:s13] =	ssyncadd.s32 $0xFFFF8600  }
0x2e: {  	_ =	swait.ge @!p1 [sflag:s17], $0x7A00  }
0x2f: {  	[sflag:s17] =	ssyncset.done @!p1 $0x0  }
0x30: {  	[sflag:s17] =	ssyncadd.s32 @!p1 $0xFFFF8600;
	s17 =	simm.s32 @!p1 $0x1A  }
0x31: {  	s17 =	sadd.s32 @!p1 $0x1, s16  }
0x32: {  	s17 =	simm.s32 @p1 $0x1  }
0x33: {  	s18 =	sshrl.u32 s17, $0x3  }
0x34: {  	s18 =	smul.u32 $0x7A1400, s18  }
0x35: {  	s19 =	sshll.u32 s17, $0x7  }
.Ltmp5:
0x36: {  	s19 =	sand.u32 $0x380, s19;
	s18 =	sadd.s32 s5, s18;
	(pc) =	sbr.rel .LBB2_4-.Ltmp5, $4  }
0x37: {  	s31 =	sand.u32 $0x1, s17;
	s18 =	sor.u32 s19, s18  }
0x38: {  	p1 =	seq.s32 s31, $0x1;
	s19 =	simm.s32 $0x7A00;
	s18 =	sshrl.u32 s18, $0x3  }
0x39: {  	s19 =	simm.s32 @!p1 $0x0;
	s18 =	sadd.s32 s1, s18  }
0x3a: {  	[tilespmem:s19], [sflag:$0x1] =	stream.strided.gather [hbm4b:s18+s11], $0x7A00, s12, s11, $0x38;
	[tilespmem:$0xF680] =	vst v63  }
.LBB2_6:
0x3b: {  	_ =	sfence.sel $0x180000  }
0x3c: {  	[bflag:$0x0] =	sbarrier.arrive $0xFFFF  }
0x3d: {  	p0 =	sne.s32 s2, $0x0;
	_ =	strace $0x90000047  }
0x3e: {  	s0 =	sadd.s32 @!p0 $0x100000, s0;
	[bflag:$0x2] =	sbarrier.arrive $0xFFFF  }
0x3f: {  	[sflag:s0] =	ssyncadd.tile.s32 @!p0 $0x1;
	_ =	shalt  }
.Lfunc_end2:
_tile_overlayer_lowered:
.L_overlay_start_2:
0x40: {  	(tag) =	ssettag $0x2  }
0x41: {  	s0 =	rddreg [dreg:$0x0];
	s2 =	stileid.u32  }
0x42: {  	s1 =	rddreg [dreg:$0x1];
	p0 =	sne.s32 s2, $0x0  }
0x43: {  	s3 =	rddreg [dreg:$0x2];
	[bflag:$0x3] =	sbarrier.arrive $0xFFFF;
	s2 =	simm.s32 @!p0 $0x1C03  }
0x44: {  	[timem:s3], [sflag:s2] =	dma.local @!p0 [hbm:s0], s1  }
0x45: {  	s0 =	simm.s32 @!p0 $0x3  }
0x46: {  	_ =	swait.ge @!p0 [sflag:s0], s1  }
0x47: {  	s1 =	ssub.s32 @!p0 $0x0, s1;
	[sflag:s0] =	ssyncset.done @!p0 $0x0  }
0x48: {  	[sflag:s0] =	ssyncadd.s32 @!p0 s1  }
0x49: {  	[bflag:$0x3] =	sbarrier.arrive $0xFFFF  }
0x4a: {  	_ =	shalt  }

// kernel: _lr_call.7.cloned.1.call-start
scs
__scs_entry_jumppad:
0x0: {  	(pc) =	sbr.rel $0x88, $3  }
0x1: {  	(tag) =	ssettag $0x0;
	lr =	simm.s32 $0x1  }
0x2: {  	[smem:$0x3F9E] =	sst lr;
	_ =	strace $0xD0000000  }
0x3: {  	_ = 	snop  }
0x4: {  	_ = 	snop  }
0x5: {  	_ = 	snop  }
0x6: {  	_ = 	snop  }
0x7: {  	_ = 	snop  }
__scs_overlays_trampoline_lowered:
0x8: {  	[smem:$0x3FAD] =	sst s0  }
0x9: {  	[smem:$0x3FAE] =	sst s1  }
0xa: {  	[smem:$0x3FAF] =	sst s2  }
0xb: {  	[smem:$0x3FB0] =	sst s3  }
0xc: {  	[smem:$0x3FB1] =	sst s4  }
0xd: {  	[smem:$0x3FB2] =	sst s5  }
0xe: {  	[smem:$0x3FB3] =	sst s6  }
0xf: {  	[smem:$0x3FB4] =	sst s7  }
0x10: {  	[smem:$0x3FB5] =	sst s8  }
0x11: {  	[smem:$0x3FB6] =	sst s9;
	s0 =	simm.s32 @!p0 $0x0  }
0x12: {  	s1 =	sld [smem:$0x3F9C];
	s0 =	simm.s32 @p0 $0x1  }
0x13: {  	[smem:$0x3FB7] =	sst s0;
	s0 =	simm.s32 @!p1 $0x0  }
0x14: {  	s2 =	sld [smem:$0x3F9B];
	s0 =	simm.s32 @p1 $0x1  }
0x15: {  	[smem:$0x3FB8] =	sst s0;
	s0 =	simm.s32 @!p2 $0x0  }
0x16: {  	s3 =	sld [smem:$0x3FDB];
	s0 =	simm.s32 @p2 $0x1  }
0x17: {  	s4 =	simm.s32 $0x1BF5;
	[smem:$0x3FBA] =	sst s0  }
0x18: {  	s0 =	sld [smem:$0x3F9D];
	_ =	swait.ge [sflag:s4], $0x0  }
0x19: {  	s7 =	sld [smem:$0x3F9E]  }
0x1a: {  	s8 =	sadd.s32 $0xFFFFE003, lr  }
0x1b: {  	s9 =	sadd.s32 $0xFFFFFEF7, lr;
	s5 =	simm.s32 $0xFFFFFFFF;
	p2 =	slt.u32 s8, $0xFFFFF086  }
0x1c: {  	p1 =	slt.u32 s9, $0xF7A;
	s5 =	simm.s32 @!p2 $0x0  }
0x1d: {  	s5 =	simm.s32 @p1 $0x1;
	p0 =	seq.s32 s7, s2  }
0x1e: {  	s7 =	smul.u32 @!p0 $0xF7A, s2;
	p2 =	seq.s32 @!p0 s5, $0x0  }
0x1f: {  	s9 =	smul.u32 $0xF7A, s1;
	s8 =	simm.s32 @!p0 $0x1BF5;
	p2 =	por !p2, p0  }
0x20: {  	[sflag:s8] =	ssyncset.s32 @!p0 $0xFFFFF086;
	s6 =	sadd.s32 @!p0 s3, s7;
	s7 =	simm.s32 @!p0 $0x108  }
0x21: {  	s3 =	sadd.s32 s3, s9;
	s6 =	sadd.s32 @!p0 $0x88, s6;
	s7 =	simm.s32 @p2 $0x1082  }
0x22: {  	[simem:s7], [sflag:s8] =	dma.local @!p0 [hbm:s6], $0xF7A  }
0x23: {  	s9 =	sor.u32 $0xD0000000, s2;
	s6 =	simm.s32 $0x108;
	_ =	swait.ge @!p0 [sflag:s8], $0x0  }
0x24: {  	s3 =	sadd.s32 $0x88, s3;
	s6 =	simm.s32 @!p1 $0x1082;
	[sflag:s4] =	ssyncset.s32 $0xFFFFF086  }
0x25: {  	[simem:s6], [sflag:s4] =	dma.local [hbm:s3], $0xF7A  }
0x26: {  	[smem:$0x3F9E] =	sst s1;
	(tag) =	ssettag s2;
	_ =	strace s9  }
0x27: {  	s1 =	sld [smem:$0x3FAE]  }
0x28: {  	s2 =	sld [smem:$0x3FAF]  }
0x29: {  	s4 =	sld [smem:$0x3FB1]  }
0x2a: {  	p0 =	seq.s32 s5, $0x0;
	s5 =	sld [smem:$0x3FB2]  }
0x2b: {  	s6 =	sld [smem:$0x3FB3]  }
0x2c: {  	s7 =	sld [smem:$0x3FB4]  }
0x2d: {  	s3 =	simm.s32 $0x108;
	s8 =	sld [smem:$0x3FB5]  }
0x2e: {  	s3 =	simm.s32 @!p0 $0x1082;
	s9 =	sld [smem:$0x3FB6]  }
0x2f: {  	lr =	sadd.s32 s0, s3;
	s0 =	sld [smem:$0x3FAD]  }
0x30: {  	s3 =	sld [smem:$0x3FB0]  }
0x31: {  	[smem:$0x3FB9] =	sst s10  }
0x32: {  	s10 =	sld [smem:$0x3FB7];
	_ =	sdelay $0x3  }
0x33: {  	p0 =	seq.s32 s10, $0x1;
	s10 =	sld [smem:$0x3FB9];
	_ =	sdelay $0x3  }
0x34: {  	[smem:$0x3FB9] =	sst s10  }
0x35: {  	s10 =	sld [smem:$0x3FB8];
	_ =	sdelay $0x3  }
0x36: {  	p1 =	seq.s32 s10, $0x1;
	s10 =	sld [smem:$0x3FB9];
	_ =	sdelay $0x3  }
0x37: {  	[smem:$0x3FB9] =	sst s10  }
0x38: {  	s10 =	sld [smem:$0x3FBA]  }
0x39: {  	_ = 	snop;
	(pc) =	sbr.ind lr, $3  }
0x3a: {  	_ = 	snop  }
0x3b: {  	_ = 	snop  }
0x3c: {  	p2 =	seq.s32 s10, $0x1;
	s10 =	sld [smem:$0x3FB9]  }
0x3d: {  	_ =	shalt  }
0x3e: {  	_ =	shalt  }
0x3f: {  	_ =	shalt  }
0x40: {  	_ =	shalt  }
0x41: {  	_ =	shalt  }
0x42: {  	_ =	shalt  }
0x43: {  	_ =	shalt  }
0x44: {  	_ =	shalt  }
0x45: {  	_ =	shalt  }
0x46: {  	_ =	shalt  }
0x47: {  	_ =	shalt  }
0x48: {  	_ =	shalt  }
0x49: {  	_ =	shalt  }
0x4a: {  	_ =	shalt  }
0x4b: {  	_ =	shalt  }
0x4c: {  	_ =	shalt  }
0x4d: {  	_ =	shalt  }
0x4e: {  	_ =	shalt  }
0x4f: {  	_ =	shalt  }
0x50: {  	_ =	shalt  }
0x51: {  	_ =	shalt  }
0x52: {  	_ =	shalt  }
0x53: {  	_ =	shalt  }
0x54: {  	_ =	shalt  }
0x55: {  	_ =	shalt  }
0x56: {  	_ =	shalt  }
0x57: {  	_ =	shalt  }
0x58: {  	_ =	shalt  }
0x59: {  	_ =	shalt  }
0x5a: {  	_ =	shalt  }
0x5b: {  	_ =	shalt  }
0x5c: {  	_ =	shalt  }
0x5d: {  	_ =	shalt  }
0x5e: {  	_ =	shalt  }
0x5f: {  	_ =	shalt  }
0x60: {  	_ =	shalt  }
0x61: {  	_ =	shalt  }
0x62: {  	_ =	shalt  }
0x63: {  	_ =	shalt  }
0x64: {  	_ =	shalt  }
0x65: {  	_ =	shalt  }
0x66: {  	_ =	shalt  }
0x67: {  	_ =	shalt  }
0x68: {  	_ =	shalt  }
0x69: {  	_ =	shalt  }
0x6a: {  	_ =	shalt  }
0x6b: {  	_ =	shalt  }
0x6c: {  	_ =	shalt  }
0x6d: {  	_ =	shalt  }
0x6e: {  	_ =	shalt  }
0x6f: {  	_ =	shalt  }
0x70: {  	_ =	shalt  }
0x71: {  	_ =	shalt  }
0x72: {  	_ =	shalt  }
0x73: {  	_ =	shalt  }
0x74: {  	_ =	shalt  }
0x75: {  	_ =	shalt  }
0x76: {  	_ =	shalt  }
0x77: {  	_ =	shalt  }
0x78: {  	_ =	shalt  }
0x79: {  	_ =	shalt  }
0x7a: {  	_ =	shalt  }
0x7b: {  	_ =	shalt  }
0x7c: {  	_ =	shalt  }
0x7d: {  	_ =	shalt  }
0x7e: {  	_ =	shalt  }
0x7f: {  	_ =	shalt  }
0x80: {  	_ =	shalt  }
0x81: {  	_ =	shalt  }
0x82: {  	_ =	shalt  }
0x83: {  	_ =	shalt  }
0x84: {  	_ =	shalt  }
0x85: {  	_ =	shalt  }
0x86: {  	_ =	shalt  }
0x87: {  	_ =	shalt  }
.Lfunc_end0:
.L_simem_size_0:
called_computation.1_lowered:
.L_overlay_start_0:
0x88: {  	s2 =	sld [smem:$0x3FD9]  }
0x89: {  	s3 =	sld [smem:$0x3FFE];
	_ =	sdelay $0x1  }
0x8a: {  	s1 =	srdreg.scid  }
0x8b: {  	s0 =	sand.u32 $0x1, s1  }
0x8c: {  	s17 =	sshll.u32 s0, $0xA;
	s2 =	sadd.s32 s3, s2  }
0x8d: {  	s2 =	sadd.s32 s2, s17  }
0x8e: {  	[smem:$0x3FC5] =	sst s2  }
0x8f: {  	_ = 	snop  }
0x90: {  	s2 =	sld [smem:$0x3FC9]  }
0x91: {  	s18 =	sld [smem:$0x3FC7]  }
0x92: {  	s4 =	sld [smem:$0x3FD0];
	(tm) =	ssettm $0x1  }
0x93: {  	s5 =	sld [smem:$0x3FFB];
	_ =	sdelay $0x3  }
0x94: {  	_ =	strace s5  }
0x95: {  	s5 =	sld [smem:$0x3FFC];
	_ =	sdelay $0x3  }
0x96: {  	_ =	strace s5  }
0x97: {  	s5 =	sld [smem:$0x3FFD];
	_ =	sdelay $0x3  }
0x98: {  	_ =	strace s5  }
0x99: {  	_ =	strace $0x8FFFFFFF  }
0x9a: {  	s19 =	sld [smem:$0x3FDB];
	_ =	sdelay $0x1  }
0x9b: {  	s6 =	simm.s32 $_scs_section_size  }
0x9c: {  	s7 =	simm.s32 $_size__tile_overlayer_lowered;
	s8 =	simm.s32 $_tile_overlayer_lowered  }
0x9d: {  	s22 =	simm.s32 $0x1BFF;
	s21 =	sshll.u32 s8, $0x1;
	s5 =	sadd.s32 s6, s19  }
0x9e: {  	s9 =	simm.s32 $0x0;
	s20 =	sshll.u32 s7, $0x1;
	s7 =	sadd.s32 s21, s5  }
0x9f: {  	[timem:s9], [sflag:s22] =	dma.local [hbm:s7], s20  }
0xa0: {  	_ =	swait.ge [sflag:s22], s20  }
0xa1: {  	s6 =	ssub.s32 $0x0, s20;
	[sflag:s22] =	ssyncset.done $0x0  }
0xa2: {  	[sflag:s22] =	ssyncadd.s32 s6;
	_ =	sdelay $0x1  }
0xa3: {  	s23 =	simm.s32 $0x1B8B  }
0xa4: {  	_ =	swait.ge [sflag:s23], $0x1  }
0xa5: {  	[sflag:s23] =	ssyncset.done $0x0  }
0xa6: {  	s25 =	simm.s32 $0x1B8E;
	s24 =	sld [smem:$0x3FFE];
	[sflag:s23] =	ssyncadd.s32 $0xFFFFFFFF  }
0xa7: {  	s26 =	simm.s32 $execute0_lowered;
	[smem:$0x3FD2] =	sst s25  }
0xa8: {  	s7 =	sshll.u32 s26, $0x1;
	_ =	strace $0x80000049;
	[dreg:$0x1] =	wrdreg $0xFFFFFFFF  }
0xa9: {  	s28 =	simm.s32 $_size_execute0_lowered;
	s5 =	sadd.s32 s5, s7;
	[dreg:$0x0] =	wrdreg $0x0  }
0xaa: {  	s7 =	sshll.u32 s28, $0x1;
	[dreg:$0x2] =	wrdreg s5  }
0xab: {  	[dreg:$0x3] =	wrdreg s7  }
0xac: {  	[dreg:$0x4] =	wrdreg $0xC0  }
0xad: {  	_ =	task [dreg:s9], $0x5FFFF  }
0xae: {  	[dreg:$0x1] =	wrdreg $0xFFFFFFFF  }
0xaf: {  	[dreg:$0x0] =	wrdreg $0x60  }
0xb0: {  	[dreg:$0x2] =	wrdreg s2  }
0xb1: {  	[dreg:$0x3] =	wrdreg s24  }
0xb2: {  	[dreg:$0x4] =	wrdreg s18  }
0xb3: {  	[dreg:$0x5] =	wrdreg s4  }
0xb4: {  	[dreg:$0x6] =	wrdreg $0x9  }
0xb5: {  	_ =	task.clear_ibuf [dreg:s9], $0x7FFFF;
	_ =	strace $0x90000049  }
0xb6: {  	s29 =	simm.s32 $0x9;
	_ =	strace $0x8000004B  }
0xb7: {  	_ =	swait.ge [sflag:s29], $0x1  }
0xb8: {  	[sflag:s29] =	ssyncadd.s32 $0xFFFFFFFF  }
0xb9: {  	_ =	strace $0x9000004B  }
0xba: {  	_ =	sfence  }
0xbb: {  	s30 =	sld [smem:$0x0];
	_ =	sdelay $0x2  }
0xbc: {  	s31 =	sshll.u32 s1, $0xD;
	s1 =	sshrl.u32 s1, $0x2  }
0xbd: {  	s3 =	sand.u32 $0x4000, s31;
	s1 =	sadd.s32 s1, s30  }
0xbe: {  	s0 =	sor.u32 s3, s0;
	s1 =	sshll.u32 s1, $0x11  }
0xbf: {  	s0 =	sor.u32 s1, s0  }
0xc0: {  	s0 =	sadd.s32 $0x8F2B, s0  }
0xc1: {  	[sflag:s0] =	ssyncadd.remote.s32 $0x1  }
0xc2: {  	_ =	sfence.sel $0xFFFF  }
0xc3: {  	[dreg:$0x0] =	wrdreg $0xFFFFFFFF;
	(pc) =	sbr.abs _section_cstart, $3  }
0xc4: {  	[dreg:$0x1] =	wrdreg $0xFFFFFFFF  }
0xc5: {  	_ =	task.clear_ibuf [dreg:s9], $0x2FFFF;
	_ =	strace $0x9FFFFFFF  }
0xc6: {  	(tm) =	ssettm $0x7FFFFFFF  }
0xc7: {  	_ =	shalt  }
tec
execute0_lowered:
.L_overlay_start_1:
0x0: {  	(tag) =	ssettag $0x1  }
0x1: {  	s5 =	rddreg [dreg:$0x0]  }
0x2: {  	s4 =	rddreg [dreg:$0x1]  }
0x3: {  	s1 =	rddreg [dreg:$0x2]  }
0x4: {  	s6 =	rddreg [dreg:$0x3]  }
0x5: {  	s0 =	rddreg [dreg:$0x4]  }
0x6: {  	s3 =	simm.s32 $0x0;
	s7 =	srdreg.scid;
	s2 =	stileid.u32  }
0x7: {  	s11 =	simm.s32 $0x20000;
	s12 =	simm.s32 $0x1;
	s13 =	simm.s32 $0x1E000  }
0x8: {  	s14 =	simm.s32 $0x0;
	[smem:$0x7FF] =	sst s3;
	s7 =	sand.u32 $0x1, s7  }
0x9: {  	s9 =	sshll.u32 s2, $0xA;
	s4 =	sadd.s32 $0x800, s4;
	s8 =	ssub.s32 $0x2, s7  }
0xa: {  	_ =	strace $0x8000004A;
	s7 =	sshll.u32 s7, $0x9;
	s10 =	sshrl.u32 s8, $0x1  }
0xb: {  	s7 =	sor.u32 s7, s9;
	s9 =	simm.s32 $0x2;
	s8 =	ssub.s32 s8, s10  }
0xc: {  	s5 =	sadd.s32 s5, s7;
	s7 =	sshrl.u32 s7, $0x3;
	s10 =	simm.s32 $0x1000  }
0xd: {  	vm0 =	vmmov $0xffff;
	s6 =	sadd.s32 s6, s7;
	s7 =	smax.u32 s8, $0x1;
	s8 =	simm.s32 $0x1E200  }
.LBB2_1:
0xe: {  	[tilespmem:s8], [sflag:$0x2] =	stream.linear.gather [hbm4b:s1+s3], $0x80, $0x38;
	[tilespmem:$0x1E280] =	vst v63  }
0xf: {  	_ =	swait.ge [sflag:s9], $0x80  }
0x10: {  	s15 =	simm.s32 $0x0;
	s16 =	simm.s32 $0x0;
	[sflag:s9] =	ssyncset.done $0x0  }
0x11: {  	s17 =	sand.u32 $0xC00, s3;
	s15 =	sand.u32 $0x3000, s15;
	[sflag:s9] =	ssyncadd.s32 $0xFFFFFF80  }
0x12: {  	[tilespmem:s3], [sflag:$0x2] =	stream.strided.gather [hbm4b:s5+s10], $0x4000, s11, s10, $0x38;
	[tilespmem:$0x1E280] =	vst v63  }
0x13: {  	s16 =	sand.u32 $0x380, s16;
	s15 =	sor.u32 s17, s15;
	_ =	swait.ge [sflag:s9], $0x4000  }
0x14: {  	s24 =	sand.u32 $0x70, s3;
	s15 =	sor.u32 s16, s15;
	[sflag:s9] =	ssyncset.done $0x0  }
0x15: {  	s15 =	sor.u32 s24, s15;
	[sflag:s9] =	ssyncadd.s32 $0xFFFFC000  }
0x16: {  	v0 =	vld [tilespmem:s15+$0x0];
	_ =	sdelay $0x1  }
0x17: {  	s25 =	simm.s32 $0x0  }
0x18: {  	s15 =	smul.u32 $0xF4240, s25;
	_ =	sdelay $0x1  }
0x19: {  	s26 =	simm.s32 $0x10;
	s28 =	simm.s32 $0x80;
	v0 =	vadd.s32 s15, v0  }
0x1a: {  	s29 =	simm.s32 $0x4;
	s16 =	sand.u32 $0x3000, s26;
	s15 =	sand.u32 $0xC00, s28  }
0x1b: {  	s18 =	simm.s32 $0x10;
	s17 =	sand.u32 $0x380, s29;
	s15 =	sor.u32 s15, s16  }
0x1c: {  	s30 =	sand.u32 $0x70, s18;
	s17 =	sor.u32 s17, s15  }
0x1d: {  	s15 =	simm.s32 $0x4000;
	s16 =	sor.u32 s30, s17  }
0x1e: {  	[tilespmem:s15], [sflag:$0x1] =	stream.indirect_vreg.gather [hbm4b:s4+s3], $0x1, v0, vm0, $0xb8;
	[tilespmem:$0x1E280] =	vst v63  }
0x1f: {  	v0 =	vld [tilespmem:s16+$0x0];
	_ =	sdelay $0x1  }
0x20: {  	s31 =	simm.s32 $0x0  }
0x21: {  	s19 =	smul.u32 $0xF4240, s31  }
0x22: {  	s21 =	simm.s32 $0x20;
	s18 =	simm.s32 $0x100  }
0x23: {  	s20 =	simm.s32 $0x8;
	s21 =	sand.u32 $0x3000, s21;
	s22 =	sand.u32 $0xC00, s18;
	v0 =	vadd.s32 s19, v0  }
0x24: {  	s17 =	simm.s32 $0x20;
	s16 =	simm.s32 $0x2;
	s19 =	simm.s32 $0x3  }
.LBB2_2:
0x25: {  	p0 =	sne.s32 s19, $0x33F;
	s20 =	sand.u32 $0x380, s20;
	s21 =	sor.u32 s22, s21  }
0x26: {  	s22 =	sand.u32 $0x70, s17;
	s20 =	sor.u32 s20, s21  }
0x27: {  	s15 =	sadd.s32 $0x80, s15;
	s20 =	sor.u32 s22, s20  }
0x28: {  	[tilespmem:s15], [sflag:$0x1] =	stream.indirect_vreg.gather [hbm4b:s4+s3], $0x1, v0, vm0, $0xb8;
	[tilespmem:$0x1E280] =	vst v63  }
0x29: {  	v0 =	vld [tilespmem:s20+$0x0];
	_ =	sdelay $0x1  }
.Ltmp0:
0x2a: {  	s20 =	sshrl.u32 s16, $0x5;
	s16 =	smov.u32 s19;
	(pc) =	sbr.rel @p0 .LBB2_2-.Ltmp0, $4  }
0x2b: {  	s21 =	smul.u32 $0xF4240, s20  }
0x2c: {  	s17 =	sadd.s32 $0x10, s17  }
0x2d: {  	s18 =	sadd.s32 $0x80, s18;
	s22 =	sshll.u32 s19, $0x4;
	s20 =	sshll.u32 s19, $0x2;
	v0 =	vadd.s32 s21, v0  }
0x2e: {  	s19 =	sadd.s32 $0x1, s19;
	s21 =	sand.u32 $0x3000, s22;
	s22 =	sand.u32 $0xC00, s18  }
0x2f: {  	_ =	sdelay $0x1  }
0x30: {  	s18 =	sand.u32 $0x380, s20;
	s19 =	sor.u32 s22, s21  }
0x31: {  	s17 =	sand.u32 $0x70, s17;
	s15 =	sadd.s32 $0x80, s15;
	s18 =	sor.u32 s18, s19  }
0x32: {  	[tilespmem:s15], [sflag:$0x1] =	stream.indirect_vreg.gather [hbm4b:s4+s3], $0x1, v0, vm0, $0xb8;
	[tilespmem:$0x1E280] =	vst v63  }
0x33: {  	s17 =	sor.u32 s17, s18  }
0x34: {  	v0 =	vld [tilespmem:s17+$0x0];
	_ =	sdelay $0x1  }
0x35: {  	s16 =	sshrl.u32 s16, $0x5  }
0x36: {  	s16 =	smul.u32 $0xF4240, s16;
	_ =	sdelay $0x1  }
0x37: {  	v0 =	vadd.s32 s16, v0;
	_ =	sdelay $0x3  }
0x38: {  	s15 =	sadd.s32 $0x80, s15  }
0x39: {  	[tilespmem:s15], [sflag:$0x1] =	stream.indirect_vreg.gather [hbm4b:s4+s3], $0x1, v0, vm0, $0xb8;
	[tilespmem:$0x1E280] =	vst v63  }
0x3a: {  	_ =	swait.ge [sflag:s12], $0x10  }
0x3b: {  	s15 =	simm.s32 $0x33F;
	[sflag:s12] =	ssyncset.done $0x0  }
.LBB2_4:
0x3c: {  	p0 =	sne.s32 s15, $0x1;
	s15 =	sadd.s32 $0xFFFFFFFF, s15;
	[sflag:s12] =	ssyncadd.s32 $0xFFFFFFF0  }
.Ltmp1:
0x3d: {  	(pc) =	sbr.rel @p0 .LBB2_4-.Ltmp1, $3  }
0x3e: {  	_ =	sdelay $0x1  }
0x3f: {  	_ =	swait.ge [sflag:s12], $0x10  }
0x40: {  	[sflag:s12] =	ssyncset.done $0x0  }
0x41: {  	[sflag:s12] =	ssyncadd.s32 $0xFFFFFFF0  }
0x42: {  	s15 =	simm.s32 $0x0;
	v0 =	vld [tilespmem:$0x1E200]  }
0x43: {  	v1 =	vld [tilespmem:s15+$0x4000];
	_ =	sdelay $0x1  }
0x44: {  	v2 =	vld [tilespmem:s15+$0x5000];
	_ =	sdelay $0x1  }
0x45: {  	v3 =	vld [tilespmem:s15+$0x6000]  }
0x46: {  	v1 =	vadd.f32 v1, v0  }
0x47: {  	v4 =	vld [tilespmem:s15+$0x7000]  }
0x48: {  	v1 =	vadd.f32 v2, v1  }
0x49: {  	v2 =	vld [tilespmem:s15+$0x8000]  }
0x4a: {  	v1 =	vadd.f32 v3, v1  }
0x4b: {  	v3 =	vld [tilespmem:s15+$0x9000]  }
0x4c: {  	v1 =	vadd.f32 v4, v1  }
0x4d: {  	v57 =	vld [tilespmem:s15+$0xA000]  }
0x4e: {  	v1 =	vadd.f32 v2, v1  }
0x4f: {  	v2 =	vld [tilespmem:s15+$0xB000]  }
0x50: {  	v1 =	vadd.f32 v3, v1  }
0x51: {  	v3 =	vld [tilespmem:s15+$0xC000]  }
0x52: {  	v1 =	vadd.f32 v57, v1  }
0x53: {  	v58 =	vld [tilespmem:s15+$0xD000]  }
0x54: {  	v1 =	vadd.f32 v2, v1  }
0x55: {  	v2 =	vld [tilespmem:s15+$0xE000]  }
0x56: {  	v1 =	vadd.f32 v3, v1  }
0x57: {  	v3 =	vld [tilespmem:s15+$0xF000]  }
0x58: {  	v1 =	vadd.f32 v58, v1  }
0x59: {  	v59 =	vld [tilespmem:s15+$0x10000]  }
0x5a: {  	v1 =	vadd.f32 v2, v1  }
0x5b: {  	v2 =	vld [tilespmem:s15+$0x11000]  }
0x5c: {  	v1 =	vadd.f32 v3, v1  }
0x5d: {  	v3 =	vld [tilespmem:s15+$0x12000]  }
0x5e: {  	v1 =	vadd.f32 v59, v1  }
0x5f: {  	v60 =	vld [tilespmem:s15+$0x13000]  }
0x60: {  	v1 =	vadd.f32 v2, v1  }
0x61: {  	v2 =	vld [tilespmem:s15+$0x14000]  }
0x62: {  	v1 =	vadd.f32 v3, v1  }
0x63: {  	v3 =	vld [tilespmem:s15+$0x15000]  }
0x64: {  	v1 =	vadd.f32 v60, v1  }
0x65: {  	v61 =	vld [tilespmem:s15+$0x16000]  }
0x66: {  	v1 =	vadd.f32 v2, v1  }
0x67: {  	v2 =	vld [tilespmem:s15+$0x17000]  }
0x68: {  	v1 =	vadd.f32 v3, v1  }
0x69: {  	v3 =	vld [tilespmem:s15+$0x18000]  }
0x6a: {  	v1 =	vadd.f32 v61, v1  }
0x6b: {  	v62 =	vld [tilespmem:s15+$0x19000]  }
0x6c: {  	v1 =	vadd.f32 v2, v1  }
0x6d: {  	v2 =	vld [tilespmem:s15+$0x1A000]  }
0x6e: {  	v1 =	vadd.f32 v3, v1  }
0x6f: {  	v3 =	vld [tilespmem:s15+$0x1B000]  }
0x70: {  	v1 =	vadd.f32 v62, v1  }
0x71: {  	v63 =	vld [tilespmem:s15+$0x1C000]  }
0x72: {  	v1 =	vadd.f32 v2, v1  }
0x73: {  	v2 =	vld [tilespmem:s15+$0x1D000]  }
0x74: {  	v1 =	vadd.f32 v3, v1;
	_ =	sdelay $0x1  }
0x75: {  	v1 =	vadd.f32 v63, v1;
	_ =	sdelay $0x1  }
0x76: {  	v1 =	vadd.f32 v2, v1  }
0x77: {  	s15 =	simm.s32 $0x1E000  }
0x78: {  	s16 =	simm.s32 $0x80;
	s17 =	simm.s32 $0x400;
	[tilespmem:s15+$0x0] =	vst v1  }
.LBB2_6:
0x79: {  	p0 =	sne.s32 s17, $0x3E00;
	v1 =	vld [tilespmem:s16+$0x4000];
	_ =	sdelay $0x1  }
0x7a: {  	v2 =	vld [tilespmem:s16+$0x5000];
	_ =	sdelay $0x1  }
0x7b: {  	v3 =	vld [tilespmem:s16+$0x6000]  }
0x7c: {  	v1 =	vadd.f32 v1, v0  }
0x7d: {  	v4 =	vld [tilespmem:s16+$0x7000]  }
0x7e: {  	v1 =	vadd.f32 v2, v1  }
0x7f: {  	v2 =	vld [tilespmem:s16+$0x8000]  }
0x80: {  	v1 =	vadd.f32 v3, v1  }
0x81: {  	v3 =	vld [tilespmem:s16+$0x9000]  }
0x82: {  	v1 =	vadd.f32 v4, v1  }
0x83: {  	v4 =	vld [tilespmem:s16+$0xA000]  }
0x84: {  	v1 =	vadd.f32 v2, v1  }
0x85: {  	v2 =	vld [tilespmem:s16+$0xB000]  }
0x86: {  	v1 =	vadd.f32 v3, v1  }
0x87: {  	v3 =	vld [tilespmem:s16+$0xC000]  }
0x88: {  	v1 =	vadd.f32 v4, v1  }
0x89: {  	v4 =	vld [tilespmem:s16+$0xD000]  }
0x8a: {  	v1 =	vadd.f32 v2, v1  }
0x8b: {  	v2 =	vld [tilespmem:s16+$0xE000]  }
0x8c: {  	v1 =	vadd.f32 v3, v1  }
0x8d: {  	v3 =	vld [tilespmem:s16+$0xF000]  }
0x8e: {  	v1 =	vadd.f32 v4, v1  }
0x8f: {  	v4 =	vld [tilespmem:s16+$0x10000]  }
0x90: {  	v1 =	vadd.f32 v2, v1  }
0x91: {  	v2 =	vld [tilespmem:s16+$0x11000]  }
0x92: {  	v1 =	vadd.f32 v3, v1  }
0x93: {  	v3 =	vld [tilespmem:s16+$0x12000]  }
0x94: {  	v1 =	vadd.f32 v4, v1  }
0x95: {  	v4 =	vld [tilespmem:s16+$0x13000]  }
0x96: {  	v1 =	vadd.f32 v2, v1  }
0x97: {  	v2 =	vld [tilespmem:s16+$0x14000]  }
0x98: {  	v1 =	vadd.f32 v3, v1  }
0x99: {  	v3 =	vld [tilespmem:s16+$0x15000]  }
0x9a: {  	v1 =	vadd.f32 v4, v1  }
0x9b: {  	v4 =	vld [tilespmem:s16+$0x16000]  }
0x9c: {  	v1 =	vadd.f32 v2, v1  }
0x9d: {  	v2 =	vld [tilespmem:s16+$0x17000]  }
0x9e: {  	v1 =	vadd.f32 v3, v1  }
0x9f: {  	v3 =	vld [tilespmem:s16+$0x18000]  }
0xa0: {  	v1 =	vadd.f32 v4, v1  }
0xa1: {  	v4 =	vld [tilespmem:s16+$0x19000]  }
0xa2: {  	v1 =	vadd.f32 v2, v1  }
0xa3: {  	v2 =	vld [tilespmem:s16+$0x1A000]  }
0xa4: {  	v1 =	vadd.f32 v3, v1  }
0xa5: {  	v3 =	vld [tilespmem:s16+$0x1B000]  }
0xa6: {  	v1 =	vadd.f32 v4, v1  }
0xa7: {  	v4 =	vld [tilespmem:s16+$0x1C000]  }
0xa8: {  	v1 =	vadd.f32 v2, v1  }
0xa9: {  	v2 =	vld [tilespmem:s16+$0x1D000]  }
0xaa: {  	v1 =	vadd.f32 v3, v1;
	_ =	sdelay $0x1  }
.Ltmp2:
0xab: {  	v1 =	vadd.f32 v4, v1;
	(pc) =	sbr.rel @p0 .LBB2_6-.Ltmp2, $4  }
0xac: {  	_ = 	snop  }
0xad: {  	v1 =	vadd.f32 v2, v1  }
0xae: {  	s15 =	sadd.s32 $0x10, s15  }
0xaf: {  	s16 =	sshra.s32 s17, $0x2;
	s17 =	sadd.s32 $0x200, s17;
	[tilespmem:s15+$0x0] =	vst v1  }
0xb0: {  	v1 =	vld [tilespmem:s16+$0x4000];
	_ =	sdelay $0x1  }
0xb1: {  	v2 =	vld [tilespmem:s16+$0x5000];
	_ =	sdelay $0x1  }
0xb2: {  	v3 =	vld [tilespmem:s16+$0x6000]  }
0xb3: {  	v0 =	vadd.f32 v1, v0  }
0xb4: {  	v41 =	vld [tilespmem:s16+$0x7000]  }
0xb5: {  	v0 =	vadd.f32 v2, v0  }
0xb6: {  	v42 =	vld [tilespmem:s16+$0x8000]  }
0xb7: {  	v0 =	vadd.f32 v3, v0  }
0xb8: {  	v43 =	vld [tilespmem:s16+$0x9000]  }
0xb9: {  	v0 =	vadd.f32 v41, v0  }
0xba: {  	v44 =	vld [tilespmem:s16+$0xA000]  }
0xbb: {  	v0 =	vadd.f32 v42, v0  }
0xbc: {  	v45 =	vld [tilespmem:s16+$0xB000]  }
0xbd: {  	v0 =	vadd.f32 v43, v0  }
0xbe: {  	v46 =	vld [tilespmem:s16+$0xC000]  }
0xbf: {  	v0 =	vadd.f32 v44, v0  }
0xc0: {  	v47 =	vld [tilespmem:s16+$0xD000]  }
0xc1: {  	v0 =	vadd.f32 v45, v0  }
0xc2: {  	v48 =	vld [tilespmem:s16+$0xE000]  }
0xc3: {  	v0 =	vadd.f32 v46, v0  }
0xc4: {  	v49 =	vld [tilespmem:s16+$0xF000]  }
0xc5: {  	v0 =	vadd.f32 v47, v0  }
0xc6: {  	v50 =	vld [tilespmem:s16+$0x10000]  }
0xc7: {  	v0 =	vadd.f32 v48, v0  }
0xc8: {  	v51 =	vld [tilespmem:s16+$0x11000]  }
0xc9: {  	v0 =	vadd.f32 v49, v0  }
0xca: {  	v52 =	vld [tilespmem:s16+$0x12000]  }
0xcb: {  	v0 =	vadd.f32 v50, v0  }
0xcc: {  	v53 =	vld [tilespmem:s16+$0x13000]  }
0xcd: {  	v0 =	vadd.f32 v51, v0  }
0xce: {  	v54 =	vld [tilespmem:s16+$0x14000]  }
0xcf: {  	v0 =	vadd.f32 v52, v0  }
0xd0: {  	v55 =	vld [tilespmem:s16+$0x15000]  }
0xd1: {  	v0 =	vadd.f32 v53, v0  }
0xd2: {  	v56 =	vld [tilespmem:s16+$0x16000]  }
0xd3: {  	v0 =	vadd.f32 v54, v0  }
0xd4: {  	v57 =	vld [tilespmem:s16+$0x17000]  }
0xd5: {  	v0 =	vadd.f32 v55, v0  }
0xd6: {  	v58 =	vld [tilespmem:s16+$0x18000]  }
0xd7: {  	v0 =	vadd.f32 v56, v0  }
0xd8: {  	v59 =	vld [tilespmem:s16+$0x19000]  }
0xd9: {  	v0 =	vadd.f32 v57, v0  }
0xda: {  	v60 =	vld [tilespmem:s16+$0x1A000]  }
0xdb: {  	v0 =	vadd.f32 v58, v0  }
0xdc: {  	v61 =	vld [tilespmem:s16+$0x1B000]  }
0xdd: {  	v0 =	vadd.f32 v59, v0  }
0xde: {  	v62 =	vld [tilespmem:s16+$0x1C000]  }
0xdf: {  	v0 =	vadd.f32 v60, v0  }
0xe0: {  	v63 =	vld [tilespmem:s16+$0x1D000]  }
0xe1: {  	v0 =	vadd.f32 v61, v0;
	_ =	sdelay $0x1  }
0xe2: {  	v0 =	vadd.f32 v62, v0;
	_ =	sdelay $0x1  }
0xe3: {  	s14 =	sadd.s32 $0x1, s14;
	v0 =	vadd.f32 v63, v0  }
0xe4: {  	s15 =	sadd.s32 $0x10, s15;
	p0 =	sne.s32 s14, s7  }
.Ltmp3:
0xe5: {  	[tilespmem:s15+$0x0] =	vst v0;
	(pc) =	sbr.rel @p0 .LBB2_1-.Ltmp3, $4  }
0xe6: {  	[hbm4b:s6+s3] =	stream.linear.scatter [tilespmem:s13], [sflag:$0x2], $0x200, $0x38;
	[tilespmem:$0x1E280] =	vst v63  }
0xe7: {  	_ =	swait.ge [sflag:s9], $0x200  }
0xe8: {  	[sflag:s9] =	ssyncset.done $0x0  }
0xe9: {  	[sflag:s9] =	ssyncadd.s32 $0xFFFFFE00  }
0xea: {  	_ =	sfence.sel $0x180000  }
0xeb: {  	[bflag:$0x0] =	sbarrier.arrive $0xFFFF  }
0xec: {  	p0 =	sne.s32 s2, $0x0;
	_ =	strace $0x9000004A  }
0xed: {  	s0 =	sadd.s32 @!p0 $0x100000, s0;
	[bflag:$0x2] =	sbarrier.arrive $0xFFFF  }
0xee: {  	[sflag:s0] =	ssyncadd.tile.s32 @!p0 $0x1;
	_ =	shalt  }
.Lfunc_end2:
_tile_overlayer_lowered:
.L_overlay_start_2:
0xef: {  	(tag) =	ssettag $0x2  }
0xf0: {  	s0 =	rddreg [dreg:$0x0];
	s2 =	stileid.u32  }
0xf1: {  	s1 =	rddreg [dreg:$0x1];
	p0 =	sne.s32 s2, $0x0  }
0xf2: {  	s3 =	rddreg [dreg:$0x2];
	[bflag:$0x3] =	sbarrier.arrive $0xFFFF;
	s2 =	simm.s32 @!p0 $0x1C02  }
0xf3: {  	[timem:s3], [sflag:s2] =	dma.local @!p0 [hbm:s0], s1  }
0xf4: {  	s0 =	simm.s32 @!p0 $0x2  }
0xf5: {  	_ =	swait.ge @!p0 [sflag:s0], s1  }
0xf6: {  	s1 =	ssub.s32 @!p0 $0x0, s1;
	[sflag:s0] =	ssyncset.done @!p0 $0x0  }
0xf7: {  	[sflag:s0] =	ssyncadd.s32 @!p0 s1  }
0xf8: {  	[bflag:$0x3] =	sbarrier.arrive $0xFFFF  }
0xf9: {  	_ =	shalt  }

</sc_bundles>
